<compile_context>
chip_gen: v7x
topology: tpu7x:2x2x1
jax: 0.10.2.dev20260603
libtpu: 0.0.44.dev20260713+nightly
codegen_flags: <defaults>
</compile_context>

<pallas_src>
import functools

import jax
import jax.numpy as jnp
from jax import lax
from jax.experimental import pallas as pl
from jax.experimental.pallas import tpu as pltpu
from jax.experimental.pallas import tpu_sc as plsc

T = 2048
H = 1024
FF = 4096
E = 8
K = 2
M = 256
ROWS_CAP = ((K * T + E * (M - 1) + M - 1) // M) * M
NUM_BLOCKS = ROWS_CAP // M
FF_BLK = 2048
FFC = FF // FF_BLK


def _router_body(x_ref, wr_ref, logits_ref, dest0_ref, dest1_ref,
                 w0_ref, w1_ref, be_ref, na_ref):
    x = x_ref[...]
    wr = wr_ref[...]
    logits = jnp.dot(x, wr, preferred_element_type=jnp.float32)
    logits_ref[...] = logits

    mx = jnp.max(logits, axis=-1, keepdims=True)
    p = jnp.exp(logits - mx)
    p = p / jnp.sum(p, axis=-1, keepdims=True)

    iota_e = jax.lax.broadcasted_iota(jnp.int32, (T, E), 1)
    w1 = jnp.max(p, axis=-1, keepdims=True)
    e1 = jnp.min(jnp.where(p == w1, iota_e, E), axis=-1, keepdims=True)
    p2 = jnp.where(iota_e == e1, -jnp.inf, p)
    w2 = jnp.max(p2, axis=-1, keepdims=True)
    e2 = jnp.min(jnp.where(p2 == w2, iota_e, E), axis=-1, keepdims=True)
    s = w1 + w2
    w1n = w1 / s
    w2n = w2 / s

    one1 = (iota_e == e1).astype(jnp.float32)
    one2 = (iota_e == e2).astype(jnp.float32)
    choose = one1 + one2

    r = jax.lax.broadcasted_iota(jnp.int32, (T, T), 0)
    c = jax.lax.broadcasted_iota(jnp.int32, (T, T), 1)
    lt = (c <= r).astype(jnp.float32)
    cum = jnp.dot(lt, choose, preferred_element_type=jnp.float32)
    counts = cum[T - 1:T, :]
    cum_excl = cum - choose

    nblk = jnp.floor((counts + (M - 1)) / M)
    padded = nblk * M
    re = jax.lax.broadcasted_iota(jnp.int32, (E, E), 0)
    ce = jax.lax.broadcasted_iota(jnp.int32, (E, E), 1)
    strict = (re < ce).astype(jnp.float32)
    off = jnp.dot(padded, strict, preferred_element_type=jnp.float32)

    pos = off + cum_excl
    dest0 = jnp.sum(one1 * pos, axis=-1, keepdims=True)
    dest1 = jnp.sum(one2 * pos, axis=-1, keepdims=True)
    dest0_ref[...] = dest0.astype(jnp.int32)
    dest1_ref[...] = dest1.astype(jnp.int32)
    w0_ref[...] = jnp.broadcast_to(w1n, (T, 128))
    w1_ref[...] = jnp.broadcast_to(w2n, (T, 128))

    incl = (re <= ce).astype(jnp.float32)
    cumblk = jnp.dot(nblk, incl, preferred_element_type=jnp.float32)
    used = cumblk[0:1, E - 1:E]
    iota_b = jax.lax.broadcasted_iota(jnp.int32, (NUM_BLOCKS, 1), 0)
    bq = jnp.minimum(iota_b.astype(jnp.float32), used - 1.0)
    cumb = jnp.broadcast_to(cumblk, (NUM_BLOCKS, E))
    be = jnp.sum((cumb <= bq).astype(jnp.float32), axis=-1, keepdims=True)
    be_ref[...] = be.astype(jnp.int32)
    na_ref[...] = used.astype(jnp.int32)


def _router(x, wr):
    return pl.pallas_call(
        _router_body,
        out_shape=(
            jax.ShapeDtypeStruct((T, E), jnp.float32),
            jax.ShapeDtypeStruct((T, 1), jnp.int32),
            jax.ShapeDtypeStruct((T, 1), jnp.int32),
            jax.ShapeDtypeStruct((T, 128), jnp.float32),
            jax.ShapeDtypeStruct((T, 128), jnp.float32),
            jax.ShapeDtypeStruct((NUM_BLOCKS, 1), jnp.int32),
            jax.ShapeDtypeStruct((1, 1), jnp.int32),
        ),
    )(x, wr)


def _stage1_body(be_ref, na_ref, x_ref, wg_ref, bg_ref, wu_ref, bu_ref, h_ref):
    b = pl.program_id(1)

    @pl.when(b < na_ref[0])
    def _():
        x = x_ref[...].astype(jnp.bfloat16)
        g = jnp.dot(x, wg_ref[0].astype(jnp.bfloat16),
                    preferred_element_type=jnp.float32) + bg_ref[0]
        u = jnp.dot(x, wu_ref[0].astype(jnp.bfloat16),
                    preferred_element_type=jnp.float32) + bu_ref[0]
        h_ref[...] = (g * jax.nn.sigmoid(g) * u).astype(jnp.bfloat16)


def _stage1(block_expert, num_active, xs, wg, bg, wu, bu):
    grid = (FFC, NUM_BLOCKS)
    return pl.pallas_call(
        _stage1_body,
        grid_spec=pltpu.PrefetchScalarGridSpec(
            num_scalar_prefetch=2,
            grid=grid,
            in_specs=[
                pl.BlockSpec((M, H), lambda f, b, be, na: (b, 0)),
                pl.BlockSpec((1, H, FF_BLK), lambda f, b, be, na: (be[b], 0, f)),
                pl.BlockSpec((1, 1, FF_BLK), lambda f, b, be, na: (be[b], 0, f)),
                pl.BlockSpec((1, H, FF_BLK), lambda f, b, be, na: (be[b], 0, f)),
                pl.BlockSpec((1, 1, FF_BLK), lambda f, b, be, na: (be[b], 0, f)),
            ],
            out_specs=pl.BlockSpec((M, FF_BLK), lambda f, b, be, na: (b, f)),
        ),
        out_shape=jax.ShapeDtypeStruct((ROWS_CAP, FF), jnp.bfloat16),
        compiler_params=pltpu.CompilerParams(
            dimension_semantics=("arbitrary", "arbitrary"),
            vmem_limit_bytes=100 * 1024 * 1024,
        ),
    )(block_expert, num_active, xs, wg, bg, wu, bu)


def _stage2_body(be_ref, na_ref, h_ref, wd_ref, bd_ref, ws_ref, y_ref):
    b = pl.program_id(0)

    @pl.when(b < na_ref[0])
    def _():
        h = h_ref[...]
        y = jnp.dot(h, wd_ref[0].astype(jnp.bfloat16),
                    preferred_element_type=jnp.float32) + bd_ref[0]
        y_ref[...] = y * ws_ref[:, 0:1]


def _stage2(block_expert, num_active, hs, wd, bd, ws):
    return pl.pallas_call(
        _stage2_body,
        grid_spec=pltpu.PrefetchScalarGridSpec(
            num_scalar_prefetch=2,
            grid=(NUM_BLOCKS,),
            in_specs=[
                pl.BlockSpec((M, FF), lambda b, be, na: (b, 0)),
                pl.BlockSpec((1, FF, H), lambda b, be, na: (be[b], 0, 0)),
                pl.BlockSpec((1, 1, H), lambda b, be, na: (be[b], 0, 0)),
                pl.BlockSpec((M, 128), lambda b, be, na: (b, 0)),
            ],
            out_specs=pl.BlockSpec((M, H), lambda b, be, na: (b, 0)),
        ),
        out_shape=jax.ShapeDtypeStruct((ROWS_CAP, H), jnp.float32),
        compiler_params=pltpu.CompilerParams(
            dimension_semantics=("arbitrary",),
            vmem_limit_bytes=100 * 1024 * 1024,
        ),
    )(block_expert, num_active, hs, wd, bd, ws)


_SC_MESH = plsc.VectorSubcoreMesh(
    core_axis_name="c", subcore_axis_name="s", num_cores=2, num_subcores=16)
_NW = 32
_TPW = T // _NW


def _dispatch_sc(x, dest0, dest1, w0b, w1b):
    @functools.partial(
        pl.kernel,
        mesh=_SC_MESH,
        out_type=(
            jax.ShapeDtypeStruct((ROWS_CAP, H), jnp.float32),
            jax.ShapeDtypeStruct((ROWS_CAP, 128), jnp.float32),
        ),
        scratch_types=[
            pltpu.VMEM((_TPW,), jnp.int32),
            pltpu.VMEM((_TPW,), jnp.int32),
            pltpu.VMEM((_TPW, H), jnp.float32),
            pltpu.VMEM((_TPW, 128), jnp.float32),
            pltpu.VMEM((_TPW, 128), jnp.float32),
            pltpu.SemaphoreType.DMA,
        ],
    )
    def run(x_hbm, d0_hbm, d1_hbm, w0_hbm, w1_hbm, xs_hbm, ws_hbm,
            idx0_v, idx1_v, xbuf, wbuf0, wbuf1, sem):
        wid = lax.axis_index("s") * 2 + lax.axis_index("c")
        base = wid * _TPW
        pltpu.sync_copy(d0_hbm.at[pl.ds(base, _TPW)], idx0_v)
        pltpu.sync_copy(d1_hbm.at[pl.ds(base, _TPW)], idx1_v)
        pltpu.sync_copy(x_hbm.at[pl.ds(base, _TPW)], xbuf)
        pltpu.sync_copy(w0_hbm.at[pl.ds(base, _TPW)], wbuf0)
        pltpu.sync_copy(w1_hbm.at[pl.ds(base, _TPW)], wbuf1)
        c1 = pltpu.async_copy(xbuf, xs_hbm.at[idx0_v], sem)
        c2 = pltpu.async_copy(xbuf, xs_hbm.at[idx1_v], sem)
        c3 = pltpu.async_copy(wbuf0, ws_hbm.at[idx0_v], sem)
        c4 = pltpu.async_copy(wbuf1, ws_hbm.at[idx1_v], sem)
        c1.wait()
        c2.wait()
        c3.wait()
        c4.wait()

    return run(x, dest0, dest1, w0b, w1b)


_CC = 32


def _combine_sc(ys, dest0, dest1):
    @functools.partial(
        pl.kernel,
        mesh=_SC_MESH,
        out_type=jax.ShapeDtypeStruct((T, H), jnp.float32),
        scratch_types=[
            pltpu.VMEM((_CC,), jnp.int32),
            pltpu.VMEM((_CC,), jnp.int32),
            pltpu.VMEM((_CC, H), jnp.float32),
            pltpu.VMEM((_CC, H), jnp.float32),
            pltpu.SemaphoreType.DMA,
        ],
    )
    def run(ys_hbm, d0_hbm, d1_hbm, out_hbm, idx0_v, idx1_v, buf0, buf1, sem):
        wid = lax.axis_index("s") * 2 + lax.axis_index("c")
        for cc in range(_TPW // _CC):
            base = wid * _TPW + cc * _CC
            pltpu.sync_copy(d0_hbm.at[pl.ds(base, _CC)], idx0_v)
            pltpu.sync_copy(d1_hbm.at[pl.ds(base, _CC)], idx1_v)
            g0 = pltpu.async_copy(ys_hbm.at[idx0_v], buf0, sem)
            g1 = pltpu.async_copy(ys_hbm.at[idx1_v], buf1, sem)
            g0.wait()
            g1.wait()

            def addrow(r, _):
                def addcol(c, __):
                    sl = pl.ds(c * 16, 16)
                    buf0[r, sl] = buf0[r, sl] + buf1[r, sl]
                    return __

                return lax.fori_loop(0, H // 16, addcol, _, unroll=8)

            lax.fori_loop(0, _CC, addrow, 0)
            pltpu.sync_copy(buf0, out_hbm.at[pl.ds(base, _CC)])

    return run(ys, dest0, dest1)


def kernel(X, Wr, Wg, bg, Wu, bu, Wd, bd):
    bsz, seq, hidden = X.shape
    x = X.reshape(T, H)

    logits, dest0, dest1, w0b, w1b, be2d, na2d = _router(x, Wr)
    dest0 = dest0[:, 0]
    dest1 = dest1[:, 0]
    block_expert = be2d[:, 0]
    num_active = na2d[0]

    xs, ws = _dispatch_sc(x, dest0, dest1, w0b, w1b)

    hs = _stage1(block_expert, num_active, xs, Wg,
                 bg.reshape(E, 1, FF), Wu, bu.reshape(E, 1, FF))
    ys = _stage2(block_expert, num_active, hs, Wd, bd.reshape(E, 1, H), ws)

    out = _combine_sc(ys, dest0, dest1)
    return out.reshape(bsz, seq, hidden), logits

# --- scband reference (transcript-rebuilt; emitter-appended) ---
"""Pipeline reference for scband-sparse-mo-e-29540785062131 (READ-ONLY COPY).

The authoritative reference and input builder live on the scoring server;
editing this copy changes nothing except your own understanding.
"""

import jax, jax.numpy as jnp
import numpy as np

B, S, HIDDEN = 1, 2048, 1024
FF = 4 * HIDDEN
E = 8
TOPK = 2


def setup_inputs(seed: int = 0) -> dict:
    key = jax.random.key(seed)
    ks = jax.random.split(key, 8)
    sc = 0.02
    X = jax.random.normal(ks[0], (B, S, HIDDEN), dtype=jnp.float32)
    Wr = jax.random.normal(ks[1], (HIDDEN, E), dtype=jnp.float32) * sc
    Wg = jax.random.normal(ks[2], (E, HIDDEN, FF), dtype=jnp.float32) * sc
    bg = jnp.zeros((E, FF), dtype=jnp.float32)
    Wu = jax.random.normal(ks[3], (E, HIDDEN, FF), dtype=jnp.float32) * sc
    bu = jnp.zeros((E, FF), dtype=jnp.float32)
    Wd = jax.random.normal(ks[4], (E, FF, HIDDEN), dtype=jnp.float32) * sc
    bd = jnp.zeros((E, HIDDEN), dtype=jnp.float32)
    return {"X": X, "Wr": Wr, "Wg": Wg, "bg": bg, "Wu": Wu, "bu": bu, "Wd": Wd, "bd": bd}


def reference(X, Wr, Wg, bg, Wu, bu, Wd, bd):
    bsz, seq_len, hidden = X.shape
    x = X.reshape(-1, hidden)  # [T, H]
    # Router: logits -> softmax -> top-k -> renormalize selected weights
    router_logits = x @ Wr  # [T, E]
    probs = jax.nn.softmax(router_logits.astype(jnp.float32), axis=-1)
    topw, topi = jax.lax.top_k(probs, TOPK)  # [T, K]
    topw = topw / jnp.sum(topw, axis=-1, keepdims=True)
    out = jnp.zeros_like(x)
    # Dense-equivalent expert dispatch: out[t] = sum_k w[t,k] * expert_{i[t,k]}(x[t])
    for e in range(E):
        coef = jnp.sum(jnp.where(topi == e, topw, 0.0), axis=-1)  # [T]
        g = x @ Wg[e] + bg[e]
        u = x @ Wu[e] + bu[e]
        h = (jax.nn.silu(g) * u) @ Wd[e] + bd[e]
        out = out + coef[:, None] * h
    return out.reshape(bsz, seq_len, hidden), router_logits

if __name__ == "__main__":
    import jax
    _d = setup_inputs()
    print(jax.jit(kernel)(*tuple(_d.values())))

</pallas_src>

<mosaic_0001>
#map = affine_map<(d0, d1) -> (0, 0)>
#map1 = affine_map<(d0, d1) -> (0)>
module attributes {stable_mosaic.version = 14 : i64} {
  func.func @run(%arg0: i32, %arg1: i32, %arg2: memref<2048x1024xf32, #tpu.memory_space<hbm>>, %arg3: memref<2048xi32, #tpu.memory_space<hbm>>, %arg4: memref<2048xi32, #tpu.memory_space<hbm>>, %arg5: memref<2048x128xf32, #tpu.memory_space<hbm>>, %arg6: memref<2048x128xf32, #tpu.memory_space<hbm>>, %arg7: memref<6144x1024xf32, #tpu.memory_space<hbm>>, %arg8: memref<6144x128xf32, #tpu.memory_space<hbm>>, %arg9: memref<64xi32, #tpu.memory_space<vmem>>, %arg10: memref<64xi32, #tpu.memory_space<vmem>>, %arg11: memref<64x1024xf32, #tpu.memory_space<vmem>>, %arg12: memref<64x128xf32, #tpu.memory_space<vmem>>, %arg13: memref<64x128xf32, #tpu.memory_space<vmem>>, %arg14: memref<!tpu.dma_semaphore, #tpu.memory_space<semaphore_mem>>) attributes {dimension_semantics = [#tpu.dimension_semantics<core_parallel>, #tpu.dimension_semantics<subcore_parallel>], iteration_bounds = array<i64: 2, 16>, scalar_prefetch = 0 : i64, scratch_operands = 6 : i64, tpu.core_type = #tpu.core_type<sc_vector_subcore>, window_params = [{transform_indices = #map}, {transform_indices = #map1}, {transform_indices = #map1}, {transform_indices = #map}, {transform_indices = #map}, {transform_indices = #map}, {transform_indices = #map}]} {
    %mul3A = arith.constant 2 : i32
    %mul3A_0 = arith.muli %arg1, %mul3A : i32
    %add3A = arith.addi %mul3A_0, %arg0 : i32
    %mul3A_1 = arith.constant 64 : i32
    %mul3A_2 = arith.muli %add3A, %mul3A_1 : i32
    "tpu.region"() ({
      %run_scoped3A = tpu.sem_alloc : memref<!tpu.dma_semaphore, #tpu.memory_space<semaphore_mem>>
      %dma_start3A_25 = tpu.memref_slice %arg3[%mul3A_2] : memref<2048xi32, #tpu.memory_space<hbm>> -> memref<64xi32, #tpu.memory_space<hbm>>
      %dma_start3A_26 = tpu.memref_slice %arg3[%mul3A_2] : memref<2048xi32, #tpu.memory_space<hbm>> -> memref<64xi32, #tpu.memory_space<hbm>>
      tpu.enqueue_dma source(%dma_start3A_26 : memref<64xi32, #tpu.memory_space<hbm>>) target(%arg9 : memref<64xi32, #tpu.memory_space<vmem>>) target_semaphore(%run_scoped3A : memref<!tpu.dma_semaphore, #tpu.memory_space<semaphore_mem>>)
      %dma_wait3A_27 = tpu.memref_slice %arg3[%mul3A_2] : memref<2048xi32, #tpu.memory_space<hbm>> -> memref<64xi32, #tpu.memory_space<hbm>>
      %dma_wait3A_28 = tpu.memref_slice %arg3[%mul3A_2] : memref<2048xi32, #tpu.memory_space<hbm>> -> memref<64xi32, #tpu.memory_space<hbm>>
      tpu.wait_dma2 semaphore(%run_scoped3A : memref<!tpu.dma_semaphore, #tpu.memory_space<semaphore_mem>>) src(%dma_wait3A_28 : memref<64xi32, #tpu.memory_space<hbm>>) dst(%arg9 : memref<64xi32, #tpu.memory_space<vmem>>)
      tpu.yield
    }) : () -> ()
    "tpu.region"() ({
      %run_scoped3A = tpu.sem_alloc : memref<!tpu.dma_semaphore, #tpu.memory_space<semaphore_mem>>
      %dma_start3A_25 = tpu.memref_slice %arg4[%mul3A_2] : memref<2048xi32, #tpu.memory_space<hbm>> -> memref<64xi32, #tpu.memory_space<hbm>>
      %dma_start3A_26 = tpu.memref_slice %arg4[%mul3A_2] : memref<2048xi32, #tpu.memory_space<hbm>> -> memref<64xi32, #tpu.memory_space<hbm>>
      tpu.enqueue_dma source(%dma_start3A_26 : memref<64xi32, #tpu.memory_space<hbm>>) target(%arg10 : memref<64xi32, #tpu.memory_space<vmem>>) target_semaphore(%run_scoped3A : memref<!tpu.dma_semaphore, #tpu.memory_space<semaphore_mem>>)
      %dma_wait3A_27 = tpu.memref_slice %arg4[%mul3A_2] : memref<2048xi32, #tpu.memory_space<hbm>> -> memref<64xi32, #tpu.memory_space<hbm>>
      %dma_wait3A_28 = tpu.memref_slice %arg4[%mul3A_2] : memref<2048xi32, #tpu.memory_space<hbm>> -> memref<64xi32, #tpu.memory_space<hbm>>
      tpu.wait_dma2 semaphore(%run_scoped3A : memref<!tpu.dma_semaphore, #tpu.memory_space<semaphore_mem>>) src(%dma_wait3A_28 : memref<64xi32, #tpu.memory_space<hbm>>) dst(%arg10 : memref<64xi32, #tpu.memory_space<vmem>>)
      tpu.yield
    }) : () -> ()
    "tpu.region"() ({
      %run_scoped3A = tpu.sem_alloc : memref<!tpu.dma_semaphore, #tpu.memory_space<semaphore_mem>>
      %dma_start3A_25 = arith.constant 0 : i32
      %dma_start3A_26 = tpu.memref_slice %arg2[%mul3A_2, %dma_start3A_25] : memref<2048x1024xf32, #tpu.memory_space<hbm>> -> memref<64x1024xf32, #tpu.memory_space<hbm>>
      %dma_start3A_27 = arith.constant 0 : i32
      %dma_start3A_28 = tpu.memref_slice %arg2[%mul3A_2, %dma_start3A_27] : memref<2048x1024xf32, #tpu.memory_space<hbm>> -> memref<64x1024xf32, #tpu.memory_space<hbm>>
      tpu.enqueue_dma source(%dma_start3A_28 : memref<64x1024xf32, #tpu.memory_space<hbm>>) target(%arg11 : memref<64x1024xf32, #tpu.memory_space<vmem>>) target_semaphore(%run_scoped3A : memref<!tpu.dma_semaphore, #tpu.memory_space<semaphore_mem>>)
      %dma_wait3A_29 = arith.constant 0 : i32
      %dma_wait3A_30 = tpu.memref_slice %arg2[%mul3A_2, %dma_wait3A_29] : memref<2048x1024xf32, #tpu.memory_space<hbm>> -> memref<64x1024xf32, #tpu.memory_space<hbm>>
      %dma_wait3A_31 = arith.constant 0 : i32
      %dma_wait3A_32 = tpu.memref_slice %arg2[%mul3A_2, %dma_wait3A_31] : memref<2048x1024xf32, #tpu.memory_space<hbm>> -> memref<64x1024xf32, #tpu.memory_space<hbm>>
      tpu.wait_dma2 semaphore(%run_scoped3A : memref<!tpu.dma_semaphore, #tpu.memory_space<semaphore_mem>>) src(%dma_wait3A_32 : memref<64x1024xf32, #tpu.memory_space<hbm>>) dst(%arg11 : memref<64x1024xf32, #tpu.memory_space<vmem>>)
      tpu.yield
    }) : () -> ()
    "tpu.region"() ({
      %run_scoped3A = tpu.sem_alloc : memref<!tpu.dma_semaphore, #tpu.memory_space<semaphore_mem>>
      %dma_start3A_25 = arith.constant 0 : i32
      %dma_start3A_26 = tpu.memref_slice %arg5[%mul3A_2, %dma_start3A_25] : memref<2048x128xf32, #tpu.memory_space<hbm>> -> memref<64x128xf32, #tpu.memory_space<hbm>>
      %dma_start3A_27 = arith.constant 0 : i32
      %dma_start3A_28 = tpu.memref_slice %arg5[%mul3A_2, %dma_start3A_27] : memref<2048x128xf32, #tpu.memory_space<hbm>> -> memref<64x128xf32, #tpu.memory_space<hbm>>
      tpu.enqueue_dma source(%dma_start3A_28 : memref<64x128xf32, #tpu.memory_space<hbm>>) target(%arg12 : memref<64x128xf32, #tpu.memory_space<vmem>>) target_semaphore(%run_scoped3A : memref<!tpu.dma_semaphore, #tpu.memory_space<semaphore_mem>>)
      %dma_wait3A_29 = arith.constant 0 : i32
      %dma_wait3A_30 = tpu.memref_slice %arg5[%mul3A_2, %dma_wait3A_29] : memref<2048x128xf32, #tpu.memory_space<hbm>> -> memref<64x128xf32, #tpu.memory_space<hbm>>
      %dma_wait3A_31 = arith.constant 0 : i32
      %dma_wait3A_32 = tpu.memref_slice %arg5[%mul3A_2, %dma_wait3A_31] : memref<2048x128xf32, #tpu.memory_space<hbm>> -> memref<64x128xf32, #tpu.memory_space<hbm>>
      tpu.wait_dma2 semaphore(%run_scoped3A : memref<!tpu.dma_semaphore, #tpu.memory_space<semaphore_mem>>) src(%dma_wait3A_32 : memref<64x128xf32, #tpu.memory_space<hbm>>) dst(%arg12 : memref<64x128xf32, #tpu.memory_space<vmem>>)
      tpu.yield
    }) : () -> ()
    "tpu.region"() ({
      %run_scoped3A = tpu.sem_alloc : memref<!tpu.dma_semaphore, #tpu.memory_space<semaphore_mem>>
      %dma_start3A_25 = arith.constant 0 : i32
      %dma_start3A_26 = tpu.memref_slice %arg6[%mul3A_2, %dma_start3A_25] : memref<2048x128xf32, #tpu.memory_space<hbm>> -> memref<64x128xf32, #tpu.memory_space<hbm>>
      %dma_start3A_27 = arith.constant 0 : i32
      %dma_start3A_28 = tpu.memref_slice %arg6[%mul3A_2, %dma_start3A_27] : memref<2048x128xf32, #tpu.memory_space<hbm>> -> memref<64x128xf32, #tpu.memory_space<hbm>>
      tpu.enqueue_dma source(%dma_start3A_28 : memref<64x128xf32, #tpu.memory_space<hbm>>) target(%arg13 : memref<64x128xf32, #tpu.memory_space<vmem>>) target_semaphore(%run_scoped3A : memref<!tpu.dma_semaphore, #tpu.memory_space<semaphore_mem>>)
      %dma_wait3A_29 = arith.constant 0 : i32
      %dma_wait3A_30 = tpu.memref_slice %arg6[%mul3A_2, %dma_wait3A_29] : memref<2048x128xf32, #tpu.memory_space<hbm>> -> memref<64x128xf32, #tpu.memory_space<hbm>>
      %dma_wait3A_31 = arith.constant 0 : i32
      %dma_wait3A_32 = tpu.memref_slice %arg6[%mul3A_2, %dma_wait3A_31] : memref<2048x128xf32, #tpu.memory_space<hbm>> -> memref<64x128xf32, #tpu.memory_space<hbm>>
      tpu.wait_dma2 semaphore(%run_scoped3A : memref<!tpu.dma_semaphore, #tpu.memory_space<semaphore_mem>>) src(%dma_wait3A_32 : memref<64x128xf32, #tpu.memory_space<hbm>>) dst(%arg13 : memref<64x128xf32, #tpu.memory_space<vmem>>)
      tpu.yield
    }) : () -> ()
    %dma_start3A = arith.constant 0 : i32
    %dma_start3A_3 = arith.constant 0 : i32
    %dma_start3A_4 = tpu.memref_slice %arg7[%dma_start3A, %dma_start3A_3] : memref<6144x1024xf32, #tpu.memory_space<hbm>> -> memref<6144x1024xf32, #tpu.memory_space<hbm>>
    tpu.enqueue_indirect_dma source(%arg11 : memref<64x1024xf32, #tpu.memory_space<vmem>>) target(%dma_start3A_4 : memref<6144x1024xf32, #tpu.memory_space<hbm>>) offsets(%arg9 : memref<64xi32, #tpu.memory_space<vmem>>) semaphore(%arg14 : memref<!tpu.dma_semaphore, #tpu.memory_space<semaphore_mem>>)
    %dma_start3A_5 = arith.constant 0 : i32
    %dma_start3A_6 = arith.constant 0 : i32
    %dma_start3A_7 = tpu.memref_slice %arg7[%dma_start3A_5, %dma_start3A_6] : memref<6144x1024xf32, #tpu.memory_space<hbm>> -> memref<6144x1024xf32, #tpu.memory_space<hbm>>
    tpu.enqueue_indirect_dma source(%arg11 : memref<64x1024xf32, #tpu.memory_space<vmem>>) target(%dma_start3A_7 : memref<6144x1024xf32, #tpu.memory_space<hbm>>) offsets(%arg10 : memref<64xi32, #tpu.memory_space<vmem>>) semaphore(%arg14 : memref<!tpu.dma_semaphore, #tpu.memory_space<semaphore_mem>>)
    %dma_start3A_8 = arith.constant 0 : i32
    %dma_start3A_9 = arith.constant 0 : i32
    %dma_start3A_10 = tpu.memref_slice %arg8[%dma_start3A_8, %dma_start3A_9] : memref<6144x128xf32, #tpu.memory_space<hbm>> -> memref<6144x128xf32, #tpu.memory_space<hbm>>
    tpu.enqueue_indirect_dma source(%arg12 : memref<64x128xf32, #tpu.memory_space<vmem>>) target(%dma_start3A_10 : memref<6144x128xf32, #tpu.memory_space<hbm>>) offsets(%arg9 : memref<64xi32, #tpu.memory_space<vmem>>) semaphore(%arg14 : memref<!tpu.dma_semaphore, #tpu.memory_space<semaphore_mem>>)
    %dma_start3A_11 = arith.constant 0 : i32
    %dma_start3A_12 = arith.constant 0 : i32
    %dma_start3A_13 = tpu.memref_slice %arg8[%dma_start3A_11, %dma_start3A_12] : memref<6144x128xf32, #tpu.memory_space<hbm>> -> memref<6144x128xf32, #tpu.memory_space<hbm>>
    tpu.enqueue_indirect_dma source(%arg13 : memref<64x128xf32, #tpu.memory_space<vmem>>) target(%dma_start3A_13 : memref<6144x128xf32, #tpu.memory_space<hbm>>) offsets(%arg10 : memref<64xi32, #tpu.memory_space<vmem>>) semaphore(%arg14 : memref<!tpu.dma_semaphore, #tpu.memory_space<semaphore_mem>>)
    %dma_wait3A = arith.constant 0 : i32
    %dma_wait3A_14 = arith.constant 0 : i32
    %dma_wait3A_15 = tpu.memref_slice %arg7[%dma_wait3A, %dma_wait3A_14] : memref<6144x1024xf32, #tpu.memory_space<hbm>> -> memref<6144x1024xf32, #tpu.memory_space<hbm>>
    tpu.wait_indirect_dma semaphore(%arg14 : memref<!tpu.dma_semaphore, #tpu.memory_space<semaphore_mem>>) src(%arg11 : memref<64x1024xf32, #tpu.memory_space<vmem>>) dst(%dma_wait3A_15 : memref<6144x1024xf32, #tpu.memory_space<hbm>>)
    %dma_wait3A_16 = arith.constant 0 : i32
    %dma_wait3A_17 = arith.constant 0 : i32
    %dma_wait3A_18 = tpu.memref_slice %arg7[%dma_wait3A_16, %dma_wait3A_17] : memref<6144x1024xf32, #tpu.memory_space<hbm>> -> memref<6144x1024xf32, #tpu.memory_space<hbm>>
    tpu.wait_indirect_dma semaphore(%arg14 : memref<!tpu.dma_semaphore, #tpu.memory_space<semaphore_mem>>) src(%arg11 : memref<64x1024xf32, #tpu.memory_space<vmem>>) dst(%dma_wait3A_18 : memref<6144x1024xf32, #tpu.memory_space<hbm>>)
    %dma_wait3A_19 = arith.constant 0 : i32
    %dma_wait3A_20 = arith.constant 0 : i32
    %dma_wait3A_21 = tpu.memref_slice %arg8[%dma_wait3A_19, %dma_wait3A_20] : memref<6144x128xf32, #tpu.memory_space<hbm>> -> memref<6144x128xf32, #tpu.memory_space<hbm>>
    tpu.wait_indirect_dma semaphore(%arg14 : memref<!tpu.dma_semaphore, #tpu.memory_space<semaphore_mem>>) src(%arg12 : memref<64x128xf32, #tpu.memory_space<vmem>>) dst(%dma_wait3A_21 : memref<6144x128xf32, #tpu.memory_space<hbm>>)
    %dma_wait3A_22 = arith.constant 0 : i32
    %dma_wait3A_23 = arith.constant 0 : i32
    %dma_wait3A_24 = tpu.memref_slice %arg8[%dma_wait3A_22, %dma_wait3A_23] : memref<6144x128xf32, #tpu.memory_space<hbm>> -> memref<6144x128xf32, #tpu.memory_space<hbm>>
    tpu.wait_indirect_dma semaphore(%arg14 : memref<!tpu.dma_semaphore, #tpu.memory_space<semaphore_mem>>) src(%arg13 : memref<64x128xf32, #tpu.memory_space<vmem>>) dst(%dma_wait3A_24 : memref<6144x128xf32, #tpu.memory_space<hbm>>)
    return
  }
}

#map = affine_map<(d0, d1) -> (0, 0)>
#map1 = affine_map<(d0, d1) -> (0)>
module attributes {stable_mosaic.version = 14 : i64} {
  func.func @run(%arg0: i32, %arg1: i32, %arg2: memref<6144x1024xf32, #tpu.memory_space<hbm>>, %arg3: memref<2048xi32, #tpu.memory_space<hbm>>, %arg4: memref<2048xi32, #tpu.memory_space<hbm>>, %arg5: memref<2048x1024xf32, #tpu.memory_space<hbm>>, %arg6: memref<32xi32, #tpu.memory_space<vmem>>, %arg7: memref<32xi32, #tpu.memory_space<vmem>>, %arg8: memref<32x1024xf32, #tpu.memory_space<vmem>>, %arg9: memref<32x1024xf32, #tpu.memory_space<vmem>>, %arg10: memref<!tpu.dma_semaphore, #tpu.memory_space<semaphore_mem>>) attributes {dimension_semantics = [#tpu.dimension_semantics<core_parallel>, #tpu.dimension_semantics<subcore_parallel>], iteration_bounds = array<i64: 2, 16>, scalar_prefetch = 0 : i64, scratch_operands = 5 : i64, tpu.core_type = #tpu.core_type<sc_vector_subcore>, window_params = [{transform_indices = #map}, {transform_indices = #map1}, {transform_indices = #map1}, {transform_indices = #map}]} {
    %mul3A = arith.constant 2 : i32
    %mul3A_0 = arith.muli %arg1, %mul3A : i32
    %add3A = arith.addi %mul3A_0, %arg0 : i32
    %mul3A_1 = arith.constant 64 : i32
    %mul3A_2 = arith.muli %add3A, %mul3A_1 : i32
    %add3A_3 = arith.constant 0 : i32
    %add3A_4 = arith.addi %mul3A_2, %add3A_3 : i32
    "tpu.region"() ({
      %run_scoped3A = tpu.sem_alloc : memref<!tpu.dma_semaphore, #tpu.memory_space<semaphore_mem>>
      %dma_start3A_42 = tpu.memref_slice %arg3[%add3A_4] : memref<2048xi32, #tpu.memory_space<hbm>> -> memref<32xi32, #tpu.memory_space<hbm>>
      %dma_start3A_43 = tpu.memref_slice %arg3[%add3A_4] : memref<2048xi32, #tpu.memory_space<hbm>> -> memref<32xi32, #tpu.memory_space<hbm>>
      tpu.enqueue_dma source(%dma_start3A_43 : memref<32xi32, #tpu.memory_space<hbm>>) target(%arg6 : memref<32xi32, #tpu.memory_space<vmem>>) target_semaphore(%run_scoped3A : memref<!tpu.dma_semaphore, #tpu.memory_space<semaphore_mem>>)
      %dma_wait3A_44 = tpu.memref_slice %arg3[%add3A_4] : memref<2048xi32, #tpu.memory_space<hbm>> -> memref<32xi32, #tpu.memory_space<hbm>>
      %dma_wait3A_45 = tpu.memref_slice %arg3[%add3A_4] : memref<2048xi32, #tpu.memory_space<hbm>> -> memref<32xi32, #tpu.memory_space<hbm>>
      tpu.wait_dma2 semaphore(%run_scoped3A : memref<!tpu.dma_semaphore, #tpu.memory_space<semaphore_mem>>) src(%dma_wait3A_45 : memref<32xi32, #tpu.memory_space<hbm>>) dst(%arg6 : memref<32xi32, #tpu.memory_space<vmem>>)
      tpu.yield
    }) : () -> ()
    "tpu.region"() ({
      %run_scoped3A = tpu.sem_alloc : memref<!tpu.dma_semaphore, #tpu.memory_space<semaphore_mem>>
      %dma_start3A_42 = tpu.memref_slice %arg4[%add3A_4] : memref<2048xi32, #tpu.memory_space<hbm>> -> memref<32xi32, #tpu.memory_space<hbm>>
      %dma_start3A_43 = tpu.memref_slice %arg4[%add3A_4] : memref<2048xi32, #tpu.memory_space<hbm>> -> memref<32xi32, #tpu.memory_space<hbm>>
      tpu.enqueue_dma source(%dma_start3A_43 : memref<32xi32, #tpu.memory_space<hbm>>) target(%arg7 : memref<32xi32, #tpu.memory_space<vmem>>) target_semaphore(%run_scoped3A : memref<!tpu.dma_semaphore, #tpu.memory_space<semaphore_mem>>)
      %dma_wait3A_44 = tpu.memref_slice %arg4[%add3A_4] : memref<2048xi32, #tpu.memory_space<hbm>> -> memref<32xi32, #tpu.memory_space<hbm>>
      %dma_wait3A_45 = tpu.memref_slice %arg4[%add3A_4] : memref<2048xi32, #tpu.memory_space<hbm>> -> memref<32xi32, #tpu.memory_space<hbm>>
      tpu.wait_dma2 semaphore(%run_scoped3A : memref<!tpu.dma_semaphore, #tpu.memory_space<semaphore_mem>>) src(%dma_wait3A_45 : memref<32xi32, #tpu.memory_space<hbm>>) dst(%arg7 : memref<32xi32, #tpu.memory_space<vmem>>)
      tpu.yield
    }) : () -> ()
    %dma_start3A = arith.constant 0 : i32
    %dma_start3A_5 = arith.constant 0 : i32
    %dma_start3A_6 = tpu.memref_slice %arg2[%dma_start3A, %dma_start3A_5] : memref<6144x1024xf32, #tpu.memory_space<hbm>> -> memref<6144x1024xf32, #tpu.memory_space<hbm>>
    tpu.enqueue_indirect_dma source(%dma_start3A_6 : memref<6144x1024xf32, #tpu.memory_space<hbm>>) target(%arg8 : memref<32x1024xf32, #tpu.memory_space<vmem>>) offsets(%arg6 : memref<32xi32, #tpu.memory_space<vmem>>) semaphore(%arg10 : memref<!tpu.dma_semaphore, #tpu.memory_space<semaphore_mem>>)
    %dma_start3A_7 = arith.constant 0 : i32
    %dma_start3A_8 = arith.constant 0 : i32
    %dma_start3A_9 = tpu.memref_slice %arg2[%dma_start3A_7, %dma_start3A_8] : memref<6144x1024xf32, #tpu.memory_space<hbm>> -> memref<6144x1024xf32, #tpu.memory_space<hbm>>
    tpu.enqueue_indirect_dma source(%dma_start3A_9 : memref<6144x1024xf32, #tpu.memory_space<hbm>>) target(%arg9 : memref<32x1024xf32, #tpu.memory_space<vmem>>) offsets(%arg7 : memref<32xi32, #tpu.memory_space<vmem>>) semaphore(%arg10 : memref<!tpu.dma_semaphore, #tpu.memory_space<semaphore_mem>>)
    %dma_wait3A = arith.constant 0 : i32
    %dma_wait3A_10 = arith.constant 0 : i32
    %dma_wait3A_11 = tpu.memref_slice %arg2[%dma_wait3A, %dma_wait3A_10] : memref<6144x1024xf32, #tpu.memory_space<hbm>> -> memref<6144x1024xf32, #tpu.memory_space<hbm>>
    tpu.wait_indirect_dma semaphore(%arg10 : memref<!tpu.dma_semaphore, #tpu.memory_space<semaphore_mem>>) src(%dma_wait3A_11 : memref<6144x1024xf32, #tpu.memory_space<hbm>>) dst(%arg8 : memref<32x1024xf32, #tpu.memory_space<vmem>>)
    %dma_wait3A_12 = arith.constant 0 : i32
    %dma_wait3A_13 = arith.constant 0 : i32
    %dma_wait3A_14 = tpu.memref_slice %arg2[%dma_wait3A_12, %dma_wait3A_13] : memref<6144x1024xf32, #tpu.memory_space<hbm>> -> memref<6144x1024xf32, #tpu.memory_space<hbm>>
    tpu.wait_indirect_dma semaphore(%arg10 : memref<!tpu.dma_semaphore, #tpu.memory_space<semaphore_mem>>) src(%dma_wait3A_14 : memref<6144x1024xf32, #tpu.memory_space<hbm>>) dst(%arg9 : memref<32x1024xf32, #tpu.memory_space<vmem>>)
    %scan3A = arith.constant 0 : i32
    %scan3A_15 = arith.constant 0 : i32
    %scan3A_16 = arith.constant 32 : i32
    %scan3A_17 = arith.addi %scan3A_15, %scan3A_16 : i32
    %scan3A_18 = arith.constant 1 : i32
    scf.for %scan3A_42 = %scan3A_15 to %scan3A_17 step %scan3A_18  : i32 {
      %scan3A_43 = arith.constant 0 : i32
      %scan3A_44 = arith.constant 64 : i32
      %scan3A_45 = arith.addi %scan3A_43, %scan3A_44 : i32
      %scan3A_46 = arith.constant 8 : i32
      scf.for %scan3A_48 = %scan3A_43 to %scan3A_45 step %scan3A_46  : i32 {
        %mul3A_49 = arith.constant 16 : i32
        %mul3A_50 = arith.muli %scan3A_48, %mul3A_49 : i32
        %get3A = arith.index_cast %scan3A_42 : i32 to index
        %get3A_51 = arith.index_cast %mul3A_50 : i32 to index
        %get3A_52 = tpu.vector_load %arg8[%get3A, %get3A_51] {strides = array<i32>} : memref<32x1024xf32, #tpu.memory_space<vmem>>, vector<1x16xf32>,
        %get3A_53 = vector.shape_cast %get3A_52 : vector<1x16xf32> to vector<16xf32>
        %get3A_54 = arith.index_cast %scan3A_42 : i32 to index
        %get3A_55 = arith.index_cast %mul3A_50 : i32 to index
        %get3A_56 = tpu.vector_load %arg9[%get3A_54, %get3A_55] {strides = array<i32>} : memref<32x1024xf32, #tpu.memory_space<vmem>>, vector<1x16xf32>,
        %get3A_57 = vector.shape_cast %get3A_56 : vector<1x16xf32> to vector<16xf32>
        %add3A_58 = arith.addf %get3A_53, %get3A_57 : vector<16xf32>
        %swap3A = arith.index_cast %scan3A_42 : i32 to index
        %swap3A_59 = arith.index_cast %mul3A_50 : i32 to index
        %swap3A_60 = tpu.vector_load %arg8[%swap3A, %swap3A_59] {strides = array<i32>} : memref<32x1024xf32, #tpu.memory_space<vmem>>, vector<1x16xf32>,
        %swap3A_61 = vector.shape_cast %swap3A_60 : vector<1x16xf32> to vector<16xf32>
        %swap3A_62 = vector.shape_cast %add3A_58 : vector<16xf32> to vector<1x16xf32>
        tpu.vector_store %arg8[%swap3A, %swap3A_59], %swap3A_62 {strides = array<i32>} : memref<32x1024xf32, #tpu.memory_space<vmem>>, vector<1x16xf32>,
        %scan3A_63 = arith.constant 1 : i32
        %scan3A_64 = arith.addi %scan3A_48, %scan3A_63 : i32
        %mul3A_65 = arith.constant 16 : i32
        %mul3A_66 = arith.muli %scan3A_64, %mul3A_65 : i32
        %get3A_67 = arith.index_cast %scan3A_42 : i32 to index
        %get3A_68 = arith.index_cast %mul3A_66 : i32 to index
        %get3A_69 = tpu.vector_load %arg8[%get3A_67, %get3A_68] {strides = array<i32>} : memref<32x1024xf32, #tpu.memory_space<vmem>>, vector<1x16xf32>,
        %get3A_70 = vector.shape_cast %get3A_69 : vector<1x16xf32> to vector<16xf32>
        %get3A_71 = arith.index_cast %scan3A_42 : i32 to index
        %get3A_72 = arith.index_cast %mul3A_66 : i32 to index
        %get3A_73 = tpu.vector_load %arg9[%get3A_71, %get3A_72] {strides = array<i32>} : memref<32x1024xf32, #tpu.memory_space<vmem>>, vector<1x16xf32>,
        %get3A_74 = vector.shape_cast %get3A_73 : vector<1x16xf32> to vector<16xf32>
        %add3A_75 = arith.addf %get3A_70, %get3A_74 : vector<16xf32>
        %swap3A_76 = arith.index_cast %scan3A_42 : i32 to index
        %swap3A_77 = arith.index_cast %mul3A_66 : i32 to index
        %swap3A_78 = tpu.vector_load %arg8[%swap3A_76, %swap3A_77] {strides = array<i32>} : memref<32x1024xf32, #tpu.memory_space<vmem>>, vector<1x16xf32>,
        %swap3A_79 = vector.shape_cast %swap3A_78 : vector<1x16xf32> to vector<16xf32>
        %swap3A_80 = vector.shape_cast %add3A_75 : vector<16xf32> to vector<1x16xf32>
        tpu.vector_store %arg8[%swap3A_76, %swap3A_77], %swap3A_80 {strides = array<i32>} : memref<32x1024xf32, #tpu.memory_space<vmem>>, vector<1x16xf32>,
        %scan3A_81 = arith.constant 2 : i32
        %scan3A_82 = arith.addi %scan3A_48, %scan3A_81 : i32
        %mul3A_83 = arith.constant 16 : i32
        %mul3A_84 = arith.muli %scan3A_82, %mul3A_83 : i32
        %get3A_85 = arith.index_cast %scan3A_42 : i32 to index
        %get3A_86 = arith.index_cast %mul3A_84 : i32 to index
        %get3A_87 = tpu.vector_load %arg8[%get3A_85, %get3A_86] {strides = array<i32>} : memref<32x1024xf32, #tpu.memory_space<vmem>>, vector<1x16xf32>,
        %get3A_88 = vector.shape_cast %get3A_87 : vector<1x16xf32> to vector<16xf32>
        %get3A_89 = arith.index_cast %scan3A_42 : i32 to index
        %get3A_90 = arith.index_cast %mul3A_84 : i32 to index
        %get3A_91 = tpu.vector_load %arg9[%get3A_89, %get3A_90] {strides = array<i32>} : memref<32x1024xf32, #tpu.memory_space<vmem>>, vector<1x16xf32>,
        %get3A_92 = vector.shape_cast %get3A_91 : vector<1x16xf32> to vector<16xf32>
        %add3A_93 = arith.addf %get3A_88, %get3A_92 : vector<16xf32>
        %swap3A_94 = arith.index_cast %scan3A_42 : i32 to index
        %swap3A_95 = arith.index_cast %mul3A_84 : i32 to index
        %swap3A_96 = tpu.vector_load %arg8[%swap3A_94, %swap3A_95] {strides = array<i32>} : memref<32x1024xf32, #tpu.memory_space<vmem>>, vector<1x16xf32>,
        %swap3A_97 = vector.shape_cast %swap3A_96 : vector<1x16xf32> to vector<16xf32>
        %swap3A_98 = vector.shape_cast %add3A_93 : vector<16xf32> to vector<1x16xf32>
        tpu.vector_store %arg8[%swap3A_94, %swap3A_95], %swap3A_98 {strides = array<i32>} : memref<32x1024xf32, #tpu.memory_space<vmem>>, vector<1x16xf32>,
        %scan3A_99 = arith.constant 3 : i32
        %scan3A_100 = arith.addi %scan3A_48, %scan3A_99 : i32
        %mul3A_101 = arith.constant 16 : i32
        %mul3A_102 = arith.muli %scan3A_100, %mul3A_101 : i32
        %get3A_103 = arith.index_cast %scan3A_42 : i32 to index
        %get3A_104 = arith.index_cast %mul3A_102 : i32 to index
        %get3A_105 = tpu.vector_load %arg8[%get3A_103, %get3A_104] {strides = array<i32>} : memref<32x1024xf32, #tpu.memory_space<vmem>>, vector<1x16xf32>,
        %get3A_106 = vector.shape_cast %get3A_105 : vector<1x16xf32> to vector<16xf32>
        %get3A_107 = arith.index_cast %scan3A_42 : i32 to index
        %get3A_108 = arith.index_cast %mul3A_102 : i32 to index
        %get3A_109 = tpu.vector_load %arg9[%get3A_107, %get3A_108] {strides = array<i32>} : memref<32x1024xf32, #tpu.memory_space<vmem>>, vector<1x16xf32>,
        %get3A_110 = vector.shape_cast %get3A_109 : vector<1x16xf32> to vector<16xf32>
        %add3A_111 = arith.addf %get3A_106, %get3A_110 : vector<16xf32>
        %swap3A_112 = arith.index_cast %scan3A_42 : i32 to index
        %swap3A_113 = arith.index_cast %mul3A_102 : i32 to index
        %swap3A_114 = tpu.vector_load %arg8[%swap3A_112, %swap3A_113] {strides = array<i32>} : memref<32x1024xf32, #tpu.memory_space<vmem>>, vector<1x16xf32>,
        %swap3A_115 = vector.shape_cast %swap3A_114 : vector<1x16xf32> to vector<16xf32>
        %swap3A_116 = vector.shape_cast %add3A_111 : vector<16xf32> to vector<1x16xf32>
        tpu.vector_store %arg8[%swap3A_112, %swap3A_113], %swap3A_116 {strides = array<i32>} : memref<32x1024xf32, #tpu.memory_space<vmem>>, vector<1x16xf32>,
        %scan3A_117 = arith.constant 4 : i32
        %scan3A_118 = arith.addi %scan3A_48, %scan3A_117 : i32
        %mul3A_119 = arith.constant 16 : i32
        %mul3A_120 = arith.muli %scan3A_118, %mul3A_119 : i32
        %get3A_121 = arith.index_cast %scan3A_42 : i32 to index
        %get3A_122 = arith.index_cast %mul3A_120 : i32 to index
        %get3A_123 = tpu.vector_load %arg8[%get3A_121, %get3A_122] {strides = array<i32>} : memref<32x1024xf32, #tpu.memory_space<vmem>>, vector<1x16xf32>,
        %get3A_124 = vector.shape_cast %get3A_123 : vector<1x16xf32> to vector<16xf32>
        %get3A_125 = arith.index_cast %scan3A_42 : i32 to index
        %get3A_126 = arith.index_cast %mul3A_120 : i32 to index
        %get3A_127 = tpu.vector_load %arg9[%get3A_125, %get3A_126] {strides = array<i32>} : memref<32x1024xf32, #tpu.memory_space<vmem>>, vector<1x16xf32>,
        %get3A_128 = vector.shape_cast %get3A_127 : vector<1x16xf32> to vector<16xf32>
        %add3A_129 = arith.addf %get3A_124, %get3A_128 : vector<16xf32>
        %swap3A_130 = arith.index_cast %scan3A_42 : i32 to index
        %swap3A_131 = arith.index_cast %mul3A_120 : i32 to index
        %swap3A_132 = tpu.vector_load %arg8[%swap3A_130, %swap3A_131] {strides = array<i32>} : memref<32x1024xf32, #tpu.memory_space<vmem>>, vector<1x16xf32>,
        %swap3A_133 = vector.shape_cast %swap3A_132 : vector<1x16xf32> to vector<16xf32>
        %swap3A_134 = vector.shape_cast %add3A_129 : vector<16xf32> to vector<1x16xf32>
        tpu.vector_store %arg8[%swap3A_130, %swap3A_131], %swap3A_134 {strides = array<i32>} : memref<32x1024xf32, #tpu.memory_space<vmem>>, vector<1x16xf32>,
        %scan3A_135 = arith.constant 5 : i32
        %scan3A_136 = arith.addi %scan3A_48, %scan3A_135 : i32
        %mul3A_137 = arith.constant 16 : i32
        %mul3A_138 = arith.muli %scan3A_136, %mul3A_137 : i32
        %get3A_139 = arith.index_cast %scan3A_42 : i32 to index
        %get3A_140 = arith.index_cast %mul3A_138 : i32 to index
        %get3A_141 = tpu.vector_load %arg8[%get3A_139, %get3A_140] {strides = array<i32>} : memref<32x1024xf32, #tpu.memory_space<vmem>>, vector<1x16xf32>,
        %get3A_142 = vector.shape_cast %get3A_141 : vector<1x16xf32> to vector<16xf32>
        %get3A_143 = arith.index_cast %scan3A_42 : i32 to index
        %get3A_144 = arith.index_cast %mul3A_138 : i32 to index
        %get3A_145 = tpu.vector_load %arg9[%get3A_143, %get3A_144] {strides = array<i32>} : memref<32x1024xf32, #tpu.memory_space<vmem>>, vector<1x16xf32>,
        %get3A_146 = vector.shape_cast %get3A_145 : vector<1x16xf32> to vector<16xf32>
        %add3A_147 = arith.addf %get3A_142, %get3A_146 : vector<16xf32>
        %swap3A_148 = arith.index_cast %scan3A_42 : i32 to index
        %swap3A_149 = arith.index_cast %mul3A_138 : i32 to index
        %swap3A_150 = tpu.vector_load %arg8[%swap3A_148, %swap3A_149] {strides = array<i32>} : memref<32x1024xf32, #tpu.memory_space<vmem>>, vector<1x16xf32>,
        %swap3A_151 = vector.shape_cast %swap3A_150 : vector<1x16xf32> to vector<16xf32>
        %swap3A_152 = vector.shape_cast %add3A_147 : vector<16xf32> to vector<1x16xf32>
        tpu.vector_store %arg8[%swap3A_148, %swap3A_149], %swap3A_152 {strides = array<i32>} : memref<32x1024xf32, #tpu.memory_space<vmem>>, vector<1x16xf32>,
        %scan3A_153 = arith.constant 6 : i32
        %scan3A_154 = arith.addi %scan3A_48, %scan3A_153 : i32
        %mul3A_155 = arith.constant 16 : i32
        %mul3A_156 = arith.muli %scan3A_154, %mul3A_155 : i32
        %get3A_157 = arith.index_cast %scan3A_42 : i32 to index
        %get3A_158 = arith.index_cast %mul3A_156 : i32 to index
        %get3A_159 = tpu.vector_load %arg8[%get3A_157, %get3A_158] {strides = array<i32>} : memref<32x1024xf32, #tpu.memory_space<vmem>>, vector<1x16xf32>,
        %get3A_160 = vector.shape_cast %get3A_159 : vector<1x16xf32> to vector<16xf32>
        %get3A_161 = arith.index_cast %scan3A_42 : i32 to index
        %get3A_162 = arith.index_cast %mul3A_156 : i32 to index
        %get3A_163 = tpu.vector_load %arg9[%get3A_161, %get3A_162] {strides = array<i32>} : memref<32x1024xf32, #tpu.memory_space<vmem>>, vector<1x16xf32>,
        %get3A_164 = vector.shape_cast %get3A_163 : vector<1x16xf32> to vector<16xf32>
        %add3A_165 = arith.addf %get3A_160, %get3A_164 : vector<16xf32>
        %swap3A_166 = arith.index_cast %scan3A_42 : i32 to index
        %swap3A_167 = arith.index_cast %mul3A_156 : i32 to index
        %swap3A_168 = tpu.vector_load %arg8[%swap3A_166, %swap3A_167] {strides = array<i32>} : memref<32x1024xf32, #tpu.memory_space<vmem>>, vector<1x16xf32>,
        %swap3A_169 = vector.shape_cast %swap3A_168 : vector<1x16xf32> to vector<16xf32>
        %swap3A_170 = vector.shape_cast %add3A_165 : vector<16xf32> to vector<1x16xf32>
        tpu.vector_store %arg8[%swap3A_166, %swap3A_167], %swap3A_170 {strides = array<i32>} : memref<32x1024xf32, #tpu.memory_space<vmem>>, vector<1x16xf32>,
        %scan3A_171 = arith.constant 7 : i32
        %scan3A_172 = arith.addi %scan3A_48, %scan3A_171 : i32
        %mul3A_173 = arith.constant 16 : i32
        %mul3A_174 = arith.muli %scan3A_172, %mul3A_173 : i32
        %get3A_175 = arith.index_cast %scan3A_42 : i32 to index
        %get3A_176 = arith.index_cast %mul3A_174 : i32 to index
        %get3A_177 = tpu.vector_load %arg8[%get3A_175, %get3A_176] {strides = array<i32>} : memref<32x1024xf32, #tpu.memory_space<vmem>>, vector<1x16xf32>,
        %get3A_178 = vector.shape_cast %get3A_177 : vector<1x16xf32> to vector<16xf32>
        %get3A_179 = arith.index_cast %scan3A_42 : i32 to index
        %get3A_180 = arith.index_cast %mul3A_174 : i32 to index
        %get3A_181 = tpu.vector_load %arg9[%get3A_179, %get3A_180] {strides = array<i32>} : memref<32x1024xf32, #tpu.memory_space<vmem>>, vector<1x16xf32>,
        %get3A_182 = vector.shape_cast %get3A_181 : vector<1x16xf32> to vector<16xf32>
        %add3A_183 = arith.addf %get3A_178, %get3A_182 : vector<16xf32>
        %swap3A_184 = arith.index_cast %scan3A_42 : i32 to index
        %swap3A_185 = arith.index_cast %mul3A_174 : i32 to index
        %swap3A_186 = tpu.vector_load %arg8[%swap3A_184, %swap3A_185] {strides = array<i32>} : memref<32x1024xf32, #tpu.memory_space<vmem>>, vector<1x16xf32>,
        %swap3A_187 = vector.shape_cast %swap3A_186 : vector<1x16xf32> to vector<16xf32>
        %swap3A_188 = vector.shape_cast %add3A_183 : vector<16xf32> to vector<1x16xf32>
        tpu.vector_store %arg8[%swap3A_184, %swap3A_185], %swap3A_188 {strides = array<i32>} : memref<32x1024xf32, #tpu.memory_space<vmem>>, vector<1x16xf32>,
      }
      %scan3A_47 = arith.constant 64 : i32
    }
    %scan3A_19 = arith.constant 32 : i32
    "tpu.region"() ({
      %run_scoped3A = tpu.sem_alloc : memref<!tpu.dma_semaphore, #tpu.memory_space<semaphore_mem>>
      %dma_start3A_42 = arith.constant 0 : i32
      %dma_start3A_43 = tpu.memref_slice %arg5[%add3A_4, %dma_start3A_42] : memref<2048x1024xf32, #tpu.memory_space<hbm>> -> memref<32x1024xf32, #tpu.memory_space<hbm>>
      %dma_start3A_44 = arith.constant 0 : i32
      %dma_start3A_45 = tpu.memref_slice %arg5[%add3A_4, %dma_start3A_44] : memref<2048x1024xf32, #tpu.memory_space<hbm>> -> memref<32x1024xf32, #tpu.memory_space<hbm>>
      tpu.enqueue_dma source(%arg8 : memref<32x1024xf32, #tpu.memory_space<vmem>>) target(%dma_start3A_45 : memref<32x1024xf32, #tpu.memory_space<hbm>>) target_semaphore(%run_scoped3A : memref<!tpu.dma_semaphore, #tpu.memory_space<semaphore_mem>>)
      %dma_wait3A_46 = arith.constant 0 : i32
      %dma_wait3A_47 = tpu.memref_slice %arg5[%add3A_4, %dma_wait3A_46] : memref<2048x1024xf32, #tpu.memory_space<hbm>> -> memref<32x1024xf32, #tpu.memory_space<hbm>>
      %dma_wait3A_48 = arith.constant 0 : i32
      %dma_wait3A_49 = tpu.memref_slice %arg5[%add3A_4, %dma_wait3A_48] : memref<2048x1024xf32, #tpu.memory_space<hbm>> -> memref<32x1024xf32, #tpu.memory_space<hbm>>
      tpu.wait_dma2 semaphore(%run_scoped3A : memref<!tpu.dma_semaphore, #tpu.memory_space<semaphore_mem>>) src(%arg8 : memref<32x1024xf32, #tpu.memory_space<vmem>>) dst(%dma_wait3A_49 : memref<32x1024xf32, #tpu.memory_space<hbm>>)
      tpu.yield
    }) : () -> ()
    %mul3A_20 = arith.constant 64 : i32
    %mul3A_21 = arith.muli %add3A, %mul3A_20 : i32
    %add3A_22 = arith.constant 32 : i32
    %add3A_23 = arith.addi %mul3A_21, %add3A_22 : i32
    "tpu.region"() ({
      %run_scoped3A = tpu.sem_alloc : memref<!tpu.dma_semaphore, #tpu.memory_space<semaphore_mem>>
      %dma_start3A_42 = tpu.memref_slice %arg3[%add3A_23] : memref<2048xi32, #tpu.memory_space<hbm>> -> memref<32xi32, #tpu.memory_space<hbm>>
      %dma_start3A_43 = tpu.memref_slice %arg3[%add3A_23] : memref<2048xi32, #tpu.memory_space<hbm>> -> memref<32xi32, #tpu.memory_space<hbm>>
      tpu.enqueue_dma source(%dma_start3A_43 : memref<32xi32, #tpu.memory_space<hbm>>) target(%arg6 : memref<32xi32, #tpu.memory_space<vmem>>) target_semaphore(%run_scoped3A : memref<!tpu.dma_semaphore, #tpu.memory_space<semaphore_mem>>)
      %dma_wait3A_44 = tpu.memref_slice %arg3[%add3A_23] : memref<2048xi32, #tpu.memory_space<hbm>> -> memref<32xi32, #tpu.memory_space<hbm>>
      %dma_wait3A_45 = tpu.memref_slice %arg3[%add3A_23] : memref<2048xi32, #tpu.memory_space<hbm>> -> memref<32xi32, #tpu.memory_space<hbm>>
      tpu.wait_dma2 semaphore(%run_scoped3A : memref<!tpu.dma_semaphore, #tpu.memory_space<semaphore_mem>>) src(%dma_wait3A_45 : memref<32xi32, #tpu.memory_space<hbm>>) dst(%arg6 : memref<32xi32, #tpu.memory_space<vmem>>)
      tpu.yield
    }) : () -> ()
    "tpu.region"() ({
      %run_scoped3A = tpu.sem_alloc : memref<!tpu.dma_semaphore, #tpu.memory_space<semaphore_mem>>
      %dma_start3A_42 = tpu.memref_slice %arg4[%add3A_23] : memref<2048xi32, #tpu.memory_space<hbm>> -> memref<32xi32, #tpu.memory_space<hbm>>
      %dma_start3A_43 = tpu.memref_slice %arg4[%add3A_23] : memref<2048xi32, #tpu.memory_space<hbm>> -> memref<32xi32, #tpu.memory_space<hbm>>
      tpu.enqueue_dma source(%dma_start3A_43 : memref<32xi32, #tpu.memory_space<hbm>>) target(%arg7 : memref<32xi32, #tpu.memory_space<vmem>>) target_semaphore(%run_scoped3A : memref<!tpu.dma_semaphore, #tpu.memory_space<semaphore_mem>>)
      %dma_wait3A_44 = tpu.memref_slice %arg4[%add3A_23] : memref<2048xi32, #tpu.memory_space<hbm>> -> memref<32xi32, #tpu.memory_space<hbm>>
      %dma_wait3A_45 = tpu.memref_slice %arg4[%add3A_23] : memref<2048xi32, #tpu.memory_space<hbm>> -> memref<32xi32, #tpu.memory_space<hbm>>
      tpu.wait_dma2 semaphore(%run_scoped3A : memref<!tpu.dma_semaphore, #tpu.memory_space<semaphore_mem>>) src(%dma_wait3A_45 : memref<32xi32, #tpu.memory_space<hbm>>) dst(%arg7 : memref<32xi32, #tpu.memory_space<vmem>>)
      tpu.yield
    }) : () -> ()
    %dma_start3A_24 = arith.constant 0 : i32
    %dma_start3A_25 = arith.constant 0 : i32
    %dma_start3A_26 = tpu.memref_slice %arg2[%dma_start3A_24, %dma_start3A_25] : memref<6144x1024xf32, #tpu.memory_space<hbm>> -> memref<6144x1024xf32, #tpu.memory_space<hbm>>
    tpu.enqueue_indirect_dma source(%dma_start3A_26 : memref<6144x1024xf32, #tpu.memory_space<hbm>>) target(%arg8 : memref<32x1024xf32, #tpu.memory_space<vmem>>) offsets(%arg6 : memref<32xi32, #tpu.memory_space<vmem>>) semaphore(%arg10 : memref<!tpu.dma_semaphore, #tpu.memory_space<semaphore_mem>>)
    %dma_start3A_27 = arith.constant 0 : i32
    %dma_start3A_28 = arith.constant 0 : i32
    %dma_start3A_29 = tpu.memref_slice %arg2[%dma_start3A_27, %dma_start3A_28] : memref<6144x1024xf32, #tpu.memory_space<hbm>> -> memref<6144x1024xf32, #tpu.memory_space<hbm>>
    tpu.enqueue_indirect_dma source(%dma_start3A_29 : memref<6144x1024xf32, #tpu.memory_space<hbm>>) target(%arg9 : memref<32x1024xf32, #tpu.memory_space<vmem>>) offsets(%arg7 : memref<32xi32, #tpu.memory_space<vmem>>) semaphore(%arg10 : memref<!tpu.dma_semaphore, #tpu.memory_space<semaphore_mem>>)
    %dma_wait3A_30 = arith.constant 0 : i32
    %dma_wait3A_31 = arith.constant 0 : i32
    %dma_wait3A_32 = tpu.memref_slice %arg2[%dma_wait3A_30, %dma_wait3A_31] : memref<6144x1024xf32, #tpu.memory_space<hbm>> -> memref<6144x1024xf32, #tpu.memory_space<hbm>>
    tpu.wait_indirect_dma semaphore(%arg10 : memref<!tpu.dma_semaphore, #tpu.memory_space<semaphore_mem>>) src(%dma_wait3A_32 : memref<6144x1024xf32, #tpu.memory_space<hbm>>) dst(%arg8 : memref<32x1024xf32, #tpu.memory_space<vmem>>)
    %dma_wait3A_33 = arith.constant 0 : i32
    %dma_wait3A_34 = arith.constant 0 : i32
    %dma_wait3A_35 = tpu.memref_slice %arg2[%dma_wait3A_33, %dma_wait3A_34] : memref<6144x1024xf32, #tpu.memory_space<hbm>> -> memref<6144x1024xf32, #tpu.memory_space<hbm>>
    tpu.wait_indirect_dma semaphore(%arg10 : memref<!tpu.dma_semaphore, #tpu.memory_space<semaphore_mem>>) src(%dma_wait3A_35 : memref<6144x1024xf32, #tpu.memory_space<hbm>>) dst(%arg9 : memref<32x1024xf32, #tpu.memory_space<vmem>>)
    %scan3A_36 = arith.constant 0 : i32
    %scan3A_37 = arith.constant 0 : i32
    %scan3A_38 = arith.constant 32 : i32
    %scan3A_39 = arith.addi %scan3A_37, %scan3A_38 : i32
    %scan3A_40 = arith.constant 1 : i32
    scf.for %scan3A_42 = %scan3A_37 to %scan3A_39 step %scan3A_40  : i32 {
      %scan3A_43 = arith.constant 0 : i32
      %scan3A_44 = arith.constant 64 : i32
      %scan3A_45 = arith.addi %scan3A_43, %scan3A_44 : i32
      %scan3A_46 = arith.constant 8 : i32
      scf.for %scan3A_48 = %scan3A_43 to %scan3A_45 step %scan3A_46  : i32 {
        %mul3A_49 = arith.constant 16 : i32
        %mul3A_50 = arith.muli %scan3A_48, %mul3A_49 : i32
        %get3A = arith.index_cast %scan3A_42 : i32 to index
        %get3A_51 = arith.index_cast %mul3A_50 : i32 to index
        %get3A_52 = tpu.vector_load %arg8[%get3A, %get3A_51] {strides = array<i32>} : memref<32x1024xf32, #tpu.memory_space<vmem>>, vector<1x16xf32>,
        %get3A_53 = vector.shape_cast %get3A_52 : vector<1x16xf32> to vector<16xf32>
        %get3A_54 = arith.index_cast %scan3A_42 : i32 to index
        %get3A_55 = arith.index_cast %mul3A_50 : i32 to index
        %get3A_56 = tpu.vector_load %arg9[%get3A_54, %get3A_55] {strides = array<i32>} : memref<32x1024xf32, #tpu.memory_space<vmem>>, vector<1x16xf32>,
        %get3A_57 = vector.shape_cast %get3A_56 : vector<1x16xf32> to vector<16xf32>
        %add3A_58 = arith.addf %get3A_53, %get3A_57 : vector<16xf32>
        %swap3A = arith.index_cast %scan3A_42 : i32 to index
        %swap3A_59 = arith.index_cast %mul3A_50 : i32 to index
        %swap3A_60 = tpu.vector_load %arg8[%swap3A, %swap3A_59] {strides = array<i32>} : memref<32x1024xf32, #tpu.memory_space<vmem>>, vector<1x16xf32>,
        %swap3A_61 = vector.shape_cast %swap3A_60 : vector<1x16xf32> to vector<16xf32>
        %swap3A_62 = vector.shape_cast %add3A_58 : vector<16xf32> to vector<1x16xf32>
        tpu.vector_store %arg8[%swap3A, %swap3A_59], %swap3A_62 {strides = array<i32>} : memref<32x1024xf32, #tpu.memory_space<vmem>>, vector<1x16xf32>,
        %scan3A_63 = arith.constant 1 : i32
        %scan3A_64 = arith.addi %scan3A_48, %scan3A_63 : i32
        %mul3A_65 = arith.constant 16 : i32
        %mul3A_66 = arith.muli %scan3A_64, %mul3A_65 : i32
        %get3A_67 = arith.index_cast %scan3A_42 : i32 to index
        %get3A_68 = arith.index_cast %mul3A_66 : i32 to index
        %get3A_69 = tpu.vector_load %arg8[%get3A_67, %get3A_68] {strides = array<i32>} : memref<32x1024xf32, #tpu.memory_space<vmem>>, vector<1x16xf32>,
        %get3A_70 = vector.shape_cast %get3A_69 : vector<1x16xf32> to vector<16xf32>
        %get3A_71 = arith.index_cast %scan3A_42 : i32 to index
        %get3A_72 = arith.index_cast %mul3A_66 : i32 to index
        %get3A_73 = tpu.vector_load %arg9[%get3A_71, %get3A_72] {strides = array<i32>} : memref<32x1024xf32, #tpu.memory_space<vmem>>, vector<1x16xf32>,
        %get3A_74 = vector.shape_cast %get3A_73 : vector<1x16xf32> to vector<16xf32>
        %add3A_75 = arith.addf %get3A_70, %get3A_74 : vector<16xf32>
        %swap3A_76 = arith.index_cast %scan3A_42 : i32 to index
        %swap3A_77 = arith.index_cast %mul3A_66 : i32 to index
        %swap3A_78 = tpu.vector_load %arg8[%swap3A_76, %swap3A_77] {strides = array<i32>} : memref<32x1024xf32, #tpu.memory_space<vmem>>, vector<1x16xf32>,
        %swap3A_79 = vector.shape_cast %swap3A_78 : vector<1x16xf32> to vector<16xf32>
        %swap3A_80 = vector.shape_cast %add3A_75 : vector<16xf32> to vector<1x16xf32>
        tpu.vector_store %arg8[%swap3A_76, %swap3A_77], %swap3A_80 {strides = array<i32>} : memref<32x1024xf32, #tpu.memory_space<vmem>>, vector<1x16xf32>,
        %scan3A_81 = arith.constant 2 : i32
        %scan3A_82 = arith.addi %scan3A_48, %scan3A_81 : i32
        %mul3A_83 = arith.constant 16 : i32
        %mul3A_84 = arith.muli %scan3A_82, %mul3A_83 : i32
        %get3A_85 = arith.index_cast %scan3A_42 : i32 to index
        %get3A_86 = arith.index_cast %mul3A_84 : i32 to index
        %get3A_87 = tpu.vector_load %arg8[%get3A_85, %get3A_86] {strides = array<i32>} : memref<32x1024xf32, #tpu.memory_space<vmem>>, vector<1x16xf32>,
        %get3A_88 = vector.shape_cast %get3A_87 : vector<1x16xf32> to vector<16xf32>
        %get3A_89 = arith.index_cast %scan3A_42 : i32 to index
        %get3A_90 = arith.index_cast %mul3A_84 : i32 to index
        %get3A_91 = tpu.vector_load %arg9[%get3A_89, %get3A_90] {strides = array<i32>} : memref<32x1024xf32, #tpu.memory_space<vmem>>, vector<1x16xf32>,
        %get3A_92 = vector.shape_cast %get3A_91 : vector<1x16xf32> to vector<16xf32>
        %add3A_93 = arith.addf %get3A_88, %get3A_92 : vector<16xf32>
        %swap3A_94 = arith.index_cast %scan3A_42 : i32 to index
        %swap3A_95 = arith.index_cast %mul3A_84 : i32 to index
        %swap3A_96 = tpu.vector_load %arg8[%swap3A_94, %swap3A_95] {strides = array<i32>} : memref<32x1024xf32, #tpu.memory_space<vmem>>, vector<1x16xf32>,
        %swap3A_97 = vector.shape_cast %swap3A_96 : vector<1x16xf32> to vector<16xf32>
        %swap3A_98 = vector.shape_cast %add3A_93 : vector<16xf32> to vector<1x16xf32>
        tpu.vector_store %arg8[%swap3A_94, %swap3A_95], %swap3A_98 {strides = array<i32>} : memref<32x1024xf32, #tpu.memory_space<vmem>>, vector<1x16xf32>,
        %scan3A_99 = arith.constant 3 : i32
        %scan3A_100 = arith.addi %scan3A_48, %scan3A_99 : i32
        %mul3A_101 = arith.constant 16 : i32
        %mul3A_102 = arith.muli %scan3A_100, %mul3A_101 : i32
        %get3A_103 = arith.index_cast %scan3A_42 : i32 to index
        %get3A_104 = arith.index_cast %mul3A_102 : i32 to index
        %get3A_105 = tpu.vector_load %arg8[%get3A_103, %get3A_104] {strides = array<i32>} : memref<32x1024xf32, #tpu.memory_space<vmem>>, vector<1x16xf32>,
        %get3A_106 = vector.shape_cast %get3A_105 : vector<1x16xf32> to vector<16xf32>
        %get3A_107 = arith.index_cast %scan3A_42 : i32 to index
        %get3A_108 = arith.index_cast %mul3A_102 : i32 to index
        %get3A_109 = tpu.vector_load %arg9[%get3A_107, %get3A_108] {strides = array<i32>} : memref<32x1024xf32, #tpu.memory_space<vmem>>, vector<1x16xf32>,
        %get3A_110 = vector.shape_cast %get3A_109 : vector<1x16xf32> to vector<16xf32>
        %add3A_111 = arith.addf %get3A_106, %get3A_110 : vector<16xf32>
        %swap3A_112 = arith.index_cast %scan3A_42 : i32 to index
        %swap3A_113 = arith.index_cast %mul3A_102 : i32 to index
        %swap3A_114 = tpu.vector_load %arg8[%swap3A_112, %swap3A_113] {strides = array<i32>} : memref<32x1024xf32, #tpu.memory_space<vmem>>, vector<1x16xf32>,
        %swap3A_115 = vector.shape_cast %swap3A_114 : vector<1x16xf32> to vector<16xf32>
        %swap3A_116 = vector.shape_cast %add3A_111 : vector<16xf32> to vector<1x16xf32>
        tpu.vector_store %arg8[%swap3A_112, %swap3A_113], %swap3A_116 {strides = array<i32>} : memref<32x1024xf32, #tpu.memory_space<vmem>>, vector<1x16xf32>,
        %scan3A_117 = arith.constant 4 : i32
        %scan3A_118 = arith.addi %scan3A_48, %scan3A_117 : i32
        %mul3A_119 = arith.constant 16 : i32
        %mul3A_120 = arith.muli %scan3A_118, %mul3A_119 : i32
        %get3A_121 = arith.index_cast %scan3A_42 : i32 to index
        %get3A_122 = arith.index_cast %mul3A_120 : i32 to index
        %get3A_123 = tpu.vector_load %arg8[%get3A_121, %get3A_122] {strides = array<i32>} : memref<32x1024xf32, #tpu.memory_space<vmem>>, vector<1x16xf32>,
        %get3A_124 = vector.shape_cast %get3A_123 : vector<1x16xf32> to vector<16xf32>
        %get3A_125 = arith.index_cast %scan3A_42 : i32 to index
        %get3A_126 = arith.index_cast %mul3A_120 : i32 to index
        %get3A_127 = tpu.vector_load %arg9[%get3A_125, %get3A_126] {strides = array<i32>} : memref<32x1024xf32, #tpu.memory_space<vmem>>, vector<1x16xf32>,
        %get3A_128 = vector.shape_cast %get3A_127 : vector<1x16xf32> to vector<16xf32>
        %add3A_129 = arith.addf %get3A_124, %get3A_128 : vector<16xf32>
        %swap3A_130 = arith.index_cast %scan3A_42 : i32 to index
        %swap3A_131 = arith.index_cast %mul3A_120 : i32 to index
        %swap3A_132 = tpu.vector_load %arg8[%swap3A_130, %swap3A_131] {strides = array<i32>} : memref<32x1024xf32, #tpu.memory_space<vmem>>, vector<1x16xf32>,
        %swap3A_133 = vector.shape_cast %swap3A_132 : vector<1x16xf32> to vector<16xf32>
        %swap3A_134 = vector.shape_cast %add3A_129 : vector<16xf32> to vector<1x16xf32>
        tpu.vector_store %arg8[%swap3A_130, %swap3A_131], %swap3A_134 {strides = array<i32>} : memref<32x1024xf32, #tpu.memory_space<vmem>>, vector<1x16xf32>,
        %scan3A_135 = arith.constant 5 : i32
        %scan3A_136 = arith.addi %scan3A_48, %scan3A_135 : i32
        %mul3A_137 = arith.constant 16 : i32
        %mul3A_138 = arith.muli %scan3A_136, %mul3A_137 : i32
        %get3A_139 = arith.index_cast %scan3A_42 : i32 to index
        %get3A_140 = arith.index_cast %mul3A_138 : i32 to index
        %get3A_141 = tpu.vector_load %arg8[%get3A_139, %get3A_140] {strides = array<i32>} : memref<32x1024xf32, #tpu.memory_space<vmem>>, vector<1x16xf32>,
        %get3A_142 = vector.shape_cast %get3A_141 : vector<1x16xf32> to vector<16xf32>
        %get3A_143 = arith.index_cast %scan3A_42 : i32 to index
        %get3A_144 = arith.index_cast %mul3A_138 : i32 to index
        %get3A_145 = tpu.vector_load %arg9[%get3A_143, %get3A_144] {strides = array<i32>} : memref<32x1024xf32, #tpu.memory_space<vmem>>, vector<1x16xf32>,
        %get3A_146 = vector.shape_cast %get3A_145 : vector<1x16xf32> to vector<16xf32>
        %add3A_147 = arith.addf %get3A_142, %get3A_146 : vector<16xf32>
        %swap3A_148 = arith.index_cast %scan3A_42 : i32 to index
        %swap3A_149 = arith.index_cast %mul3A_138 : i32 to index
        %swap3A_150 = tpu.vector_load %arg8[%swap3A_148, %swap3A_149] {strides = array<i32>} : memref<32x1024xf32, #tpu.memory_space<vmem>>, vector<1x16xf32>,
        %swap3A_151 = vector.shape_cast %swap3A_150 : vector<1x16xf32> to vector<16xf32>
        %swap3A_152 = vector.shape_cast %add3A_147 : vector<16xf32> to vector<1x16xf32>
        tpu.vector_store %arg8[%swap3A_148, %swap3A_149], %swap3A_152 {strides = array<i32>} : memref<32x1024xf32, #tpu.memory_space<vmem>>, vector<1x16xf32>,
        %scan3A_153 = arith.constant 6 : i32
        %scan3A_154 = arith.addi %scan3A_48, %scan3A_153 : i32
        %mul3A_155 = arith.constant 16 : i32
        %mul3A_156 = arith.muli %scan3A_154, %mul3A_155 : i32
        %get3A_157 = arith.index_cast %scan3A_42 : i32 to index
        %get3A_158 = arith.index_cast %mul3A_156 : i32 to index
        %get3A_159 = tpu.vector_load %arg8[%get3A_157, %get3A_158] {strides = array<i32>} : memref<32x1024xf32, #tpu.memory_space<vmem>>, vector<1x16xf32>,
        %get3A_160 = vector.shape_cast %get3A_159 : vector<1x16xf32> to vector<16xf32>
        %get3A_161 = arith.index_cast %scan3A_42 : i32 to index
        %get3A_162 = arith.index_cast %mul3A_156 : i32 to index
        %get3A_163 = tpu.vector_load %arg9[%get3A_161, %get3A_162] {strides = array<i32>} : memref<32x1024xf32, #tpu.memory_space<vmem>>, vector<1x16xf32>,
        %get3A_164 = vector.shape_cast %get3A_163 : vector<1x16xf32> to vector<16xf32>
        %add3A_165 = arith.addf %get3A_160, %get3A_164 : vector<16xf32>
        %swap3A_166 = arith.index_cast %scan3A_42 : i32 to index
        %swap3A_167 = arith.index_cast %mul3A_156 : i32 to index
        %swap3A_168 = tpu.vector_load %arg8[%swap3A_166, %swap3A_167] {strides = array<i32>} : memref<32x1024xf32, #tpu.memory_space<vmem>>, vector<1x16xf32>,
        %swap3A_169 = vector.shape_cast %swap3A_168 : vector<1x16xf32> to vector<16xf32>
        %swap3A_170 = vector.shape_cast %add3A_165 : vector<16xf32> to vector<1x16xf32>
        tpu.vector_store %arg8[%swap3A_166, %swap3A_167], %swap3A_170 {strides = array<i32>} : memref<32x1024xf32, #tpu.memory_space<vmem>>, vector<1x16xf32>,
        %scan3A_171 = arith.constant 7 : i32
        %scan3A_172 = arith.addi %scan3A_48, %scan3A_171 : i32
        %mul3A_173 = arith.constant 16 : i32
        %mul3A_174 = arith.muli %scan3A_172, %mul3A_173 : i32
        %get3A_175 = arith.index_cast %scan3A_42 : i32 to index
        %get3A_176 = arith.index_cast %mul3A_174 : i32 to index
        %get3A_177 = tpu.vector_load %arg8[%get3A_175, %get3A_176] {strides = array<i32>} : memref<32x1024xf32, #tpu.memory_space<vmem>>, vector<1x16xf32>,
        %get3A_178 = vector.shape_cast %get3A_177 : vector<1x16xf32> to vector<16xf32>
        %get3A_179 = arith.index_cast %scan3A_42 : i32 to index
        %get3A_180 = arith.index_cast %mul3A_174 : i32 to index
        %get3A_181 = tpu.vector_load %arg9[%get3A_179, %get3A_180] {strides = array<i32>} : memref<32x1024xf32, #tpu.memory_space<vmem>>, vector<1x16xf32>,
        %get3A_182 = vector.shape_cast %get3A_181 : vector<1x16xf32> to vector<16xf32>
        %add3A_183 = arith.addf %get3A_178, %get3A_182 : vector<16xf32>
        %swap3A_184 = arith.index_cast %scan3A_42 : i32 to index
        %swap3A_185 = arith.index_cast %mul3A_174 : i32 to index
        %swap3A_186 = tpu.vector_load %arg8[%swap3A_184, %swap3A_185] {strides = array<i32>} : memref<32x1024xf32, #tpu.memory_space<vmem>>, vector<1x16xf32>,
        %swap3A_187 = vector.shape_cast %swap3A_186 : vector<1x16xf32> to vector<16xf32>
        %swap3A_188 = vector.shape_cast %add3A_183 : vector<16xf32> to vector<1x16xf32>
        tpu.vector_store %arg8[%swap3A_184, %swap3A_185], %swap3A_188 {strides = array<i32>} : memref<32x1024xf32, #tpu.memory_space<vmem>>, vector<1x16xf32>,
      }
      %scan3A_47 = arith.constant 64 : i32
    }
    %scan3A_41 = arith.constant 32 : i32
    "tpu.region"() ({
      %run_scoped3A = tpu.sem_alloc : memref<!tpu.dma_semaphore, #tpu.memory_space<semaphore_mem>>
      %dma_start3A_42 = arith.constant 0 : i32
      %dma_start3A_43 = tpu.memref_slice %arg5[%add3A_23, %dma_start3A_42] : memref<2048x1024xf32, #tpu.memory_space<hbm>> -> memref<32x1024xf32, #tpu.memory_space<hbm>>
      %dma_start3A_44 = arith.constant 0 : i32
      %dma_start3A_45 = tpu.memref_slice %arg5[%add3A_23, %dma_start3A_44] : memref<2048x1024xf32, #tpu.memory_space<hbm>> -> memref<32x1024xf32, #tpu.memory_space<hbm>>
      tpu.enqueue_dma source(%arg8 : memref<32x1024xf32, #tpu.memory_space<vmem>>) target(%dma_start3A_45 : memref<32x1024xf32, #tpu.memory_space<hbm>>) target_semaphore(%run_scoped3A : memref<!tpu.dma_semaphore, #tpu.memory_space<semaphore_mem>>)
      %dma_wait3A_46 = arith.constant 0 : i32
      %dma_wait3A_47 = tpu.memref_slice %arg5[%add3A_23, %dma_wait3A_46] : memref<2048x1024xf32, #tpu.memory_space<hbm>> -> memref<32x1024xf32, #tpu.memory_space<hbm>>
      %dma_wait3A_48 = arith.constant 0 : i32
      %dma_wait3A_49 = tpu.memref_slice %arg5[%add3A_23, %dma_wait3A_48] : memref<2048x1024xf32, #tpu.memory_space<hbm>> -> memref<32x1024xf32, #tpu.memory_space<hbm>>
      tpu.wait_dma2 semaphore(%run_scoped3A : memref<!tpu.dma_semaphore, #tpu.memory_space<semaphore_mem>>) src(%arg8 : memref<32x1024xf32, #tpu.memory_space<vmem>>) dst(%dma_wait3A_49 : memref<32x1024xf32, #tpu.memory_space<hbm>>)
      tpu.yield
    }) : () -> ()
    return
  }
}

module attributes {stable_mosaic.version = 14 : i64} {
  func.func @_router_body(%arg0: memref<2048x1024xf32, #tpu.memory_space<vmem>>, %arg1: memref<1024x8xf32, #tpu.memory_space<vmem>>, %arg2: memref<2048x8xf32, #tpu.memory_space<vmem>>, %arg3: memref<2048x1xi32, #tpu.memory_space<vmem>>, %arg4: memref<2048x1xi32, #tpu.memory_space<vmem>>, %arg5: memref<2048x128xf32, #tpu.memory_space<vmem>>, %arg6: memref<2048x128xf32, #tpu.memory_space<vmem>>, %arg7: memref<24x1xi32, #tpu.memory_space<vmem>>, %arg8: memref<1x1xi32, #tpu.memory_space<vmem>>) attributes {dimension_semantics = [], scalar_prefetch = 0 : i64, scratch_operands = 0 : i64, tpu.core_type = #tpu.core_type<tc>} {
    %get3A = arith.constant 0 : index
    %get3A_0 = arith.constant 0 : index
    %get3A_1 = vector.load %arg0[%get3A, %get3A_0] : memref<2048x1024xf32, #tpu.memory_space<vmem>>, vector<2048x1024xf32>
    %get3A_2 = arith.constant 0 : index
    %get3A_3 = arith.constant 0 : index
    %get3A_4 = vector.load %arg1[%get3A_2, %get3A_3] : memref<1024x8xf32, #tpu.memory_space<vmem>>, vector<1024x8xf32>
    %dot_general3A = arith.constant dense<0.000000e+00> : vector<2048x8xf32>
    %dot_general3A_5 = tpu.matmul %get3A_1, %get3A_4, %dot_general3A {dimension_numbers = #tpu.dot_dimension_numbers<[1], [0], [0], [1], [0, 0, 1, 1], [], []>, transpose_lhs_hint = false} : vector<2048x1024xf32>, vector<1024x8xf32>, vector<2048x8xf32> -> vector<2048x8xf32>
    %swap3A = arith.constant 0 : index
    %swap3A_6 = arith.constant 0 : index
    %swap3A_7 = vector.load %arg2[%swap3A, %swap3A_6] : memref<2048x8xf32, #tpu.memory_space<vmem>>, vector<2048x8xf32>
    tpu.vector_store %arg2[%swap3A, %swap3A_6], %dot_general3A_5 {strides = array<i32>} : memref<2048x8xf32, #tpu.memory_space<vmem>>, vector<2048x8xf32>,
    %reduce_max3A = arith.constant dense<0xFF800000> : vector<2048xf32>
    %reduce_max3A_8 = vector.multi_reduction <maximumf>, %dot_general3A_5, %reduce_max3A [1] : vector<2048x8xf32> to vector<2048xf32>
    %broadcast_in_dim3A = vector.shape_cast %reduce_max3A_8 : vector<2048xf32> to vector<2048x1xf32>
    %sub3A = vector.broadcast %broadcast_in_dim3A : vector<2048x1xf32> to vector<2048x8xf32>
    %sub3A_9 = arith.subf %dot_general3A_5, %sub3A : vector<2048x8xf32>
    %exp3A = math.exp %sub3A_9 : vector<2048x8xf32>
    %reduce_sum3A = arith.constant dense<0.000000e+00> : vector<2048xf32>
    %reduce_sum3A_10 = vector.multi_reduction <add>, %exp3A, %reduce_sum3A [1] : vector<2048x8xf32> to vector<2048xf32>
    %broadcast_in_dim3A_11 = vector.shape_cast %reduce_sum3A_10 : vector<2048xf32> to vector<2048x1xf32>
    %div3A = vector.broadcast %broadcast_in_dim3A_11 : vector<2048x1xf32> to vector<2048x8xf32>
    %div3A_12 = arith.divf %exp3A, %div3A : vector<2048x8xf32>
    %iota3A = tpu.iota {dimensions = array<i32: 1>} : vector<2048x8xi32>
    %reduce_max3A_13 = arith.constant dense<0xFF800000> : vector<2048xf32>
    %reduce_max3A_14 = vector.multi_reduction <maximumf>, %div3A_12, %reduce_max3A_13 [1] : vector<2048x8xf32> to vector<2048xf32>
    %broadcast_in_dim3A_15 = vector.shape_cast %reduce_max3A_14 : vector<2048xf32> to vector<2048x1xf32>
    %eq3A = vector.broadcast %broadcast_in_dim3A_15 : vector<2048x1xf32> to vector<2048x8xf32>
    %eq3A_16 = arith.cmpf oeq, %div3A_12, %eq3A : vector<2048x8xf32>
    %jit3A = arith.constant 8 : i32
    %broadcast_in_dim3A_17 = vector.broadcast %jit3A : i32 to vector<2048x8xi32>
    %select_n3A = arith.select %eq3A_16, %iota3A, %broadcast_in_dim3A_17 : vector<2048x8xi1>, vector<2048x8xi32>
    %reduce_min3A = arith.constant dense<2147483647> : vector<2048xi32>
    %reduce_min3A_18 = vector.multi_reduction <minsi>, %select_n3A, %reduce_min3A [1] : vector<2048x8xi32> to vector<2048xi32>
    %broadcast_in_dim3A_19 = vector.shape_cast %reduce_min3A_18 : vector<2048xi32> to vector<2048x1xi32>
    %eq3A_20 = vector.broadcast %broadcast_in_dim3A_19 : vector<2048x1xi32> to vector<2048x8xi32>
    %eq3A_21 = arith.cmpi eq, %iota3A, %eq3A_20 : vector<2048x8xi32>
    %jit3A_22 = arith.constant 0xFF800000 : f32
    %broadcast_in_dim3A_23 = vector.broadcast %jit3A_22 : f32 to vector<2048x8xf32>
    %select_n3A_24 = arith.select %eq3A_21, %broadcast_in_dim3A_23, %div3A_12 : vector<2048x8xi1>, vector<2048x8xf32>
    %reduce_max3A_25 = arith.constant dense<0xFF800000> : vector<2048xf32>
    %reduce_max3A_26 = vector.multi_reduction <maximumf>, %select_n3A_24, %reduce_max3A_25 [1] : vector<2048x8xf32> to vector<2048xf32>
    %broadcast_in_dim3A_27 = vector.shape_cast %reduce_max3A_26 : vector<2048xf32> to vector<2048x1xf32>
    %eq3A_28 = vector.broadcast %broadcast_in_dim3A_27 : vector<2048x1xf32> to vector<2048x8xf32>
    %eq3A_29 = arith.cmpf oeq, %select_n3A_24, %eq3A_28 : vector<2048x8xf32>
    %jit3A_30 = arith.constant 8 : i32
    %broadcast_in_dim3A_31 = vector.broadcast %jit3A_30 : i32 to vector<2048x8xi32>
    %select_n3A_32 = arith.select %eq3A_29, %iota3A, %broadcast_in_dim3A_31 : vector<2048x8xi1>, vector<2048x8xi32>
    %reduce_min3A_33 = arith.constant dense<2147483647> : vector<2048xi32>
    %reduce_min3A_34 = vector.multi_reduction <minsi>, %select_n3A_32, %reduce_min3A_33 [1] : vector<2048x8xi32> to vector<2048xi32>
    %broadcast_in_dim3A_35 = vector.shape_cast %reduce_min3A_34 : vector<2048xi32> to vector<2048x1xi32>
    %add3A = arith.addf %broadcast_in_dim3A_15, %broadcast_in_dim3A_27 : vector<2048x1xf32>
    %div3A_36 = arith.divf %broadcast_in_dim3A_15, %add3A : vector<2048x1xf32>
    %div3A_37 = arith.divf %broadcast_in_dim3A_27, %add3A : vector<2048x1xf32>
    %eq3A_38 = vector.broadcast %broadcast_in_dim3A_19 : vector<2048x1xi32> to vector<2048x8xi32>
    %eq3A_39 = arith.cmpi eq, %iota3A, %eq3A_38 : vector<2048x8xi32>
    %convert_element_type3A = arith.extui %eq3A_39 : vector<2048x8xi1> to vector<2048x8xi32>
    %convert_element_type3A_40 = arith.sitofp %convert_element_type3A : vector<2048x8xi32> to vector<2048x8xf32>
    %eq3A_41 = vector.broadcast %broadcast_in_dim3A_35 : vector<2048x1xi32> to vector<2048x8xi32>
    %eq3A_42 = arith.cmpi eq, %iota3A, %eq3A_41 : vector<2048x8xi32>
    %convert_element_type3A_43 = arith.extui %eq3A_42 : vector<2048x8xi1> to vector<2048x8xi32>
    %convert_element_type3A_44 = arith.sitofp %convert_element_type3A_43 : vector<2048x8xi32> to vector<2048x8xf32>
    %add3A_45 = arith.addf %convert_element_type3A_40, %convert_element_type3A_44 : vector<2048x8xf32>
    %iota3A_46 = tpu.iota {dimensions = array<i32: 0>} : vector<2048x2048xi32>
    %iota3A_47 = tpu.iota {dimensions = array<i32: 1>} : vector<2048x2048xi32>
    %le3A = arith.cmpi sle, %iota3A_47, %iota3A_46 : vector<2048x2048xi32>
    %convert_element_type3A_48 = arith.extui %le3A : vector<2048x2048xi1> to vector<2048x2048xi32>
    %convert_element_type3A_49 = arith.sitofp %convert_element_type3A_48 : vector<2048x2048xi32> to vector<2048x2048xf32>
    %dot_general3A_50 = arith.constant dense<0.000000e+00> : vector<2048x8xf32>
    %dot_general3A_51 = tpu.matmul %convert_element_type3A_49, %add3A_45, %dot_general3A_50 {dimension_numbers = #tpu.dot_dimension_numbers<[1], [0], [0], [1], [0, 0, 1, 1], [], []>, transpose_lhs_hint = false} : vector<2048x2048xf32>, vector<2048x8xf32>, vector<2048x8xf32> -> vector<2048x8xf32>
    %slice3A = vector.extract_strided_slice %dot_general3A_51 {offsets = [2047, 0], sizes = [1, 8], strides = [1, 1]} : vector<2048x8xf32> to vector<1x8xf32>
    %sub3A_52 = arith.subf %dot_general3A_51, %add3A_45 : vector<2048x8xf32>
    %add3A_53 = arith.constant 2.550000e+02 : f32
    %add3A_54 = vector.broadcast %add3A_53 : f32 to vector<1x8xf32>
    %add3A_55 = arith.addf %slice3A, %add3A_54 : vector<1x8xf32>
    %div3A_56 = arith.constant 2.560000e+02 : f32
    %div3A_57 = vector.broadcast %div3A_56 : f32 to vector<1x8xf32>
    %div3A_58 = arith.divf %add3A_55, %div3A_57 : vector<1x8xf32>
    %floor3A = math.floor %div3A_58 : vector<1x8xf32>
    %mul3A = arith.constant 2.560000e+02 : f32
    %mul3A_59 = vector.broadcast %mul3A : f32 to vector<1x8xf32>
    %mul3A_60 = arith.mulf %floor3A, %mul3A_59 : vector<1x8xf32>
    %iota3A_61 = tpu.iota {dimensions = array<i32: 0>} : vector<8x8xi32>
    %iota3A_62 = tpu.iota {dimensions = array<i32: 1>} : vector<8x8xi32>
    %lt3A = arith.cmpi slt, %iota3A_61, %iota3A_62 : vector<8x8xi32>
    %convert_element_type3A_63 = arith.extui %lt3A : vector<8x8xi1> to vector<8x8xi32>
    %convert_element_type3A_64 = arith.sitofp %convert_element_type3A_63 : vector<8x8xi32> to vector<8x8xf32>
    %dot_general3A_65 = arith.constant dense<0.000000e+00> : vector<1x8xf32>
    %dot_general3A_66 = tpu.matmul %mul3A_60, %convert_element_type3A_64, %dot_general3A_65 {dimension_numbers = #tpu.dot_dimension_numbers<[1], [0], [0], [1], [0, 0, 1, 1], [], []>, transpose_lhs_hint = false} : vector<1x8xf32>, vector<8x8xf32>, vector<1x8xf32> -> vector<1x8xf32>
    %add3A_67 = vector.broadcast %dot_general3A_66 : vector<1x8xf32> to vector<2048x8xf32>
    %add3A_68 = arith.addf %add3A_67, %sub3A_52 : vector<2048x8xf32>
    %mul3A_69 = arith.mulf %convert_element_type3A_40, %add3A_68 : vector<2048x8xf32>
    %reduce_sum3A_70 = arith.constant dense<0.000000e+00> : vector<2048xf32>
    %reduce_sum3A_71 = vector.multi_reduction <add>, %mul3A_69, %reduce_sum3A_70 [1] : vector<2048x8xf32> to vector<2048xf32>
    %broadcast_in_dim3A_72 = vector.shape_cast %reduce_sum3A_71 : vector<2048xf32> to vector<2048x1xf32>
    %mul3A_73 = arith.mulf %convert_element_type3A_44, %add3A_68 : vector<2048x8xf32>
    %reduce_sum3A_74 = arith.constant dense<0.000000e+00> : vector<2048xf32>
    %reduce_sum3A_75 = vector.multi_reduction <add>, %mul3A_73, %reduce_sum3A_74 [1] : vector<2048x8xf32> to vector<2048xf32>
    %broadcast_in_dim3A_76 = vector.shape_cast %reduce_sum3A_75 : vector<2048xf32> to vector<2048x1xf32>
    %convert_element_type3A_77 = arith.fptosi %broadcast_in_dim3A_72 : vector<2048x1xf32> to vector<2048x1xi32>
    %swap3A_78 = arith.constant 0 : index
    %swap3A_79 = arith.constant 0 : index
    %swap3A_80 = vector.load %arg3[%swap3A_78, %swap3A_79] : memref<2048x1xi32, #tpu.memory_space<vmem>>, vector<2048x1xi32>
    tpu.vector_store %arg3[%swap3A_78, %swap3A_79], %convert_element_type3A_77 {strides = array<i32>} : memref<2048x1xi32, #tpu.memory_space<vmem>>, vector<2048x1xi32>,
    %convert_element_type3A_81 = arith.fptosi %broadcast_in_dim3A_76 : vector<2048x1xf32> to vector<2048x1xi32>
    %swap3A_82 = arith.constant 0 : index
    %swap3A_83 = arith.constant 0 : index
    %swap3A_84 = vector.load %arg4[%swap3A_82, %swap3A_83] : memref<2048x1xi32, #tpu.memory_space<vmem>>, vector<2048x1xi32>
    tpu.vector_store %arg4[%swap3A_82, %swap3A_83], %convert_element_type3A_81 {strides = array<i32>} : memref<2048x1xi32, #tpu.memory_space<vmem>>, vector<2048x1xi32>,
    %broadcast_in_dim3A_85 = vector.shape_cast %div3A_36 : vector<2048x1xf32> to vector<2048x1xf32>
    %broadcast_in_dim3A_86 = vector.broadcast %broadcast_in_dim3A_85 : vector<2048x1xf32> to vector<2048x128xf32>
    %swap3A_87 = arith.constant 0 : index
    %swap3A_88 = arith.constant 0 : index
    %swap3A_89 = vector.load %arg5[%swap3A_87, %swap3A_88] : memref<2048x128xf32, #tpu.memory_space<vmem>>, vector<2048x128xf32>
    tpu.vector_store %arg5[%swap3A_87, %swap3A_88], %broadcast_in_dim3A_86 {strides = array<i32>} : memref<2048x128xf32, #tpu.memory_space<vmem>>, vector<2048x128xf32>,
    %broadcast_in_dim3A_90 = vector.shape_cast %div3A_37 : vector<2048x1xf32> to vector<2048x1xf32>
    %broadcast_in_dim3A_91 = vector.broadcast %broadcast_in_dim3A_90 : vector<2048x1xf32> to vector<2048x128xf32>
    %swap3A_92 = arith.constant 0 : index
    %swap3A_93 = arith.constant 0 : index
    %swap3A_94 = vector.load %arg6[%swap3A_92, %swap3A_93] : memref<2048x128xf32, #tpu.memory_space<vmem>>, vector<2048x128xf32>
    tpu.vector_store %arg6[%swap3A_92, %swap3A_93], %broadcast_in_dim3A_91 {strides = array<i32>} : memref<2048x128xf32, #tpu.memory_space<vmem>>, vector<2048x128xf32>,
    %le3A_95 = arith.cmpi sle, %iota3A_61, %iota3A_62 : vector<8x8xi32>
    %convert_element_type3A_96 = arith.extui %le3A_95 : vector<8x8xi1> to vector<8x8xi32>
    %convert_element_type3A_97 = arith.sitofp %convert_element_type3A_96 : vector<8x8xi32> to vector<8x8xf32>
    %dot_general3A_98 = arith.constant dense<0.000000e+00> : vector<1x8xf32>
    %dot_general3A_99 = tpu.matmul %floor3A, %convert_element_type3A_97, %dot_general3A_98 {dimension_numbers = #tpu.dot_dimension_numbers<[1], [0], [0], [1], [0, 0, 1, 1], [], []>, transpose_lhs_hint = false} : vector<1x8xf32>, vector<8x8xf32>, vector<1x8xf32> -> vector<1x8xf32>
    %slice3A_100 = vector.extract_strided_slice %dot_general3A_99 {offsets = [0, 7], sizes = [1, 1], strides = [1, 1]} : vector<1x8xf32> to vector<1x1xf32>
    %iota3A_101 = tpu.iota {dimensions = array<i32: 0>} : vector<24x1xi32>
    %convert_element_type3A_102 = arith.sitofp %iota3A_101 : vector<24x1xi32> to vector<24x1xf32>
    %sub3A_103 = arith.constant 1.000000e+00 : f32
    %sub3A_104 = vector.broadcast %sub3A_103 : f32 to vector<1x1xf32>
    %sub3A_105 = arith.subf %slice3A_100, %sub3A_104 : vector<1x1xf32>
    %min3A = vector.broadcast %sub3A_105 : vector<1x1xf32> to vector<24x1xf32>
    %min3A_106 = arith.minimumf %convert_element_type3A_102, %min3A : vector<24x1xf32>
    %broadcast_in_dim3A_107 = vector.shape_cast %dot_general3A_99 : vector<1x8xf32> to vector<1x8xf32>
    %broadcast_in_dim3A_108 = vector.broadcast %broadcast_in_dim3A_107 : vector<1x8xf32> to vector<24x8xf32>
    %le3A_109 = vector.broadcast %min3A_106 : vector<24x1xf32> to vector<24x8xf32>
    %le3A_110 = arith.cmpf ole, %broadcast_in_dim3A_108, %le3A_109 : vector<24x8xf32>
    %convert_element_type3A_111 = arith.extui %le3A_110 : vector<24x8xi1> to vector<24x8xi32>
    %convert_element_type3A_112 = arith.sitofp %convert_element_type3A_111 : vector<24x8xi32> to vector<24x8xf32>
    %reduce_sum3A_113 = arith.constant dense<0.000000e+00> : vector<24xf32>
    %reduce_sum3A_114 = vector.multi_reduction <add>, %convert_element_type3A_112, %reduce_sum3A_113 [1] : vector<24x8xf32> to vector<24xf32>
    %broadcast_in_dim3A_115 = vector.shape_cast %reduce_sum3A_114 : vector<24xf32> to vector<24x1xf32>
    %convert_element_type3A_116 = arith.fptosi %broadcast_in_dim3A_115 : vector<24x1xf32> to vector<24x1xi32>
    %swap3A_117 = arith.constant 0 : index
    %swap3A_118 = arith.constant 0 : index
    %swap3A_119 = vector.load %arg7[%swap3A_117, %swap3A_118] : memref<24x1xi32, #tpu.memory_space<vmem>>, vector<24x1xi32>
    tpu.vector_store %arg7[%swap3A_117, %swap3A_118], %convert_element_type3A_116 {strides = array<i32>} : memref<24x1xi32, #tpu.memory_space<vmem>>, vector<24x1xi32>,
    %convert_element_type3A_120 = arith.fptosi %slice3A_100 : vector<1x1xf32> to vector<1x1xi32>
    %swap3A_121 = arith.constant 0 : index
    %swap3A_122 = arith.constant 0 : index
    %swap3A_123 = vector.load %arg8[%swap3A_121, %swap3A_122] : memref<1x1xi32, #tpu.memory_space<vmem>>, vector<1x1xi32>
    tpu.vector_store %arg8[%swap3A_121, %swap3A_122], %convert_element_type3A_120 {strides = array<i32>} : memref<1x1xi32, #tpu.memory_space<vmem>>, vector<1x1xi32>,
    return
  }
}

module attributes {stable_mosaic.version = 14 : i64} {
  func.func @_stage2_body(%arg0: i32, %arg1: memref<24xi32, #tpu.memory_space<smem>>, %arg2: memref<1xi32, #tpu.memory_space<smem>>, %arg3: memref<256x4096xbf16, #tpu.memory_space<vmem>>, %arg4: memref<1x4096x1024xf32, #tpu.memory_space<vmem>>, %arg5: memref<1x1x1024xf32, #tpu.memory_space<vmem>>, %arg6: memref<256x128xf32, #tpu.memory_space<vmem>>, %arg7: memref<256x1024xf32, #tpu.memory_space<vmem>>) attributes {dimension_semantics = [#tpu.dimension_semantics<arbitrary>], iteration_bounds = array<i64: 24>, scalar_prefetch = 2 : i64, scratch_operands = 0 : i64, tpu.core_type = #tpu.core_type<tc>, window_params = [{transform_indices = @transform_0, window_bounds = array<i64: 256, 4096>}, {transform_indices = @transform_1, window_bounds = array<i64: 1, 4096, 1024>}, {transform_indices = @transform_2, window_bounds = array<i64: 1, 1, 1024>}, {transform_indices = @transform_3, window_bounds = array<i64: 256, 128>}, {transform_indices = @transform_4, window_bounds = array<i64: 256, 1024>}]} {
    %get3A = arith.constant 0 : index
    %get3A_0 = memref.load %arg2[%get3A] : memref<1xi32, #tpu.memory_space<smem>>
    %lt3A = arith.cmpi slt, %arg0, %get3A_0 : i32
    %convert_element_type3A = arith.extui %lt3A : i1 to i32
    %cond3A = arith.constant 0 : i32
    %cond3A_1 = arith.cmpi ne, %convert_element_type3A, %cond3A : i32
    scf.if %cond3A_1 {
      %get3A_2 = arith.constant 0 : index
      %get3A_3 = arith.constant 0 : index
      %get3A_4 = vector.load %arg3[%get3A_2, %get3A_3] : memref<256x4096xbf16, #tpu.memory_space<vmem>>, vector<256x4096xbf16>
      %get3A_5 = arith.constant 0 : index
      %get3A_6 = arith.constant 0 : index
      %get3A_7 = arith.constant 0 : index
      %get3A_8 = vector.load %arg4[%get3A_5, %get3A_6, %get3A_7] : memref<1x4096x1024xf32, #tpu.memory_space<vmem>>, vector<1x4096x1024xf32>
      %get3A_9 = vector.shape_cast %get3A_8 : vector<1x4096x1024xf32> to vector<4096x1024xf32>
      %convert_element_type3A_10 = arith.truncf %get3A_9 : vector<4096x1024xf32> to vector<4096x1024xbf16>
      %dot_general3A = arith.constant dense<0.000000e+00> : vector<256x1024xf32>
      %dot_general3A_11 = tpu.matmul %get3A_4, %convert_element_type3A_10, %dot_general3A {dimension_numbers = #tpu.dot_dimension_numbers<[1], [0], [0], [1], [0, 0, 1, 1], [], []>, transpose_lhs_hint = false} : vector<256x4096xbf16>, vector<4096x1024xbf16>, vector<256x1024xf32> -> vector<256x1024xf32>
      %get3A_12 = arith.constant 0 : index
      %get3A_13 = arith.constant 0 : index
      %get3A_14 = arith.constant 0 : index
      %get3A_15 = vector.load %arg5[%get3A_12, %get3A_13, %get3A_14] : memref<1x1x1024xf32, #tpu.memory_space<vmem>>, vector<1x1x1024xf32>
      %get3A_16 = vector.shape_cast %get3A_15 : vector<1x1x1024xf32> to vector<1x1024xf32>
      %add3A = vector.broadcast %get3A_16 : vector<1x1024xf32> to vector<256x1024xf32>
      %add3A_17 = arith.addf %dot_general3A_11, %add3A : vector<256x1024xf32>
      %get3A_18 = arith.constant 0 : index
      %get3A_19 = arith.constant 0 : index
      %get3A_20 = vector.load %arg6[%get3A_18, %get3A_19] : memref<256x128xf32, #tpu.memory_space<vmem>>, vector<256x1xf32>
      %mul3A = vector.broadcast %get3A_20 : vector<256x1xf32> to vector<256x1024xf32>
      %mul3A_21 = arith.mulf %add3A_17, %mul3A : vector<256x1024xf32>
      %swap3A = arith.constant 0 : index
      %swap3A_22 = arith.constant 0 : index
      %swap3A_23 = vector.load %arg7[%swap3A, %swap3A_22] : memref<256x1024xf32, #tpu.memory_space<vmem>>, vector<256x1024xf32>
      tpu.vector_store %arg7[%swap3A, %swap3A_22], %mul3A_21 {strides = array<i32>} : memref<256x1024xf32, #tpu.memory_space<vmem>>, vector<256x1024xf32>,
    } else {
    }
    return
  }
  func.func @transform_0(%arg0: i32, %arg1: memref<24xi32, #tpu.memory_space<smem>>, %arg2: memref<1xi32, #tpu.memory_space<smem>>) -> (i32, i32) {
    %c0_i32 = arith.constant 0 : i32
    %c0_i32_0 = arith.constant 0 : i32
    return %arg0, %c0_i32 : i32, i32
  }
  func.func @transform_1(%arg0: i32, %arg1: memref<24xi32, #tpu.memory_space<smem>>, %arg2: memref<1xi32, #tpu.memory_space<smem>>) -> (i32, i32, i32) {
    %get3A = arith.index_cast %arg0 : i32 to index
    %get3A_0 = memref.load %arg1[%get3A] : memref<24xi32, #tpu.memory_space<smem>>
    %c0_i32 = arith.constant 0 : i32
    %c0_i32_1 = arith.constant 0 : i32
    %c0_i32_2 = arith.constant 0 : i32
    return %get3A_0, %c0_i32, %c0_i32_1 : i32, i32, i32
  }
  func.func @transform_2(%arg0: i32, %arg1: memref<24xi32, #tpu.memory_space<smem>>, %arg2: memref<1xi32, #tpu.memory_space<smem>>) -> (i32, i32, i32) {
    %get3A = arith.index_cast %arg0 : i32 to index
    %get3A_0 = memref.load %arg1[%get3A] : memref<24xi32, #tpu.memory_space<smem>>
    %c0_i32 = arith.constant 0 : i32
    %c0_i32_1 = arith.constant 0 : i32
    %c0_i32_2 = arith.constant 0 : i32
    return %get3A_0, %c0_i32, %c0_i32_1 : i32, i32, i32
  }
  func.func @transform_3(%arg0: i32, %arg1: memref<24xi32, #tpu.memory_space<smem>>, %arg2: memref<1xi32, #tpu.memory_space<smem>>) -> (i32, i32) {
    %c0_i32 = arith.constant 0 : i32
    %c0_i32_0 = arith.constant 0 : i32
    return %arg0, %c0_i32 : i32, i32
  }
  func.func @transform_4(%arg0: i32, %arg1: memref<24xi32, #tpu.memory_space<smem>>, %arg2: memref<1xi32, #tpu.memory_space<smem>>) -> (i32, i32) {
    %c0_i32 = arith.constant 0 : i32
    %c0_i32_0 = arith.constant 0 : i32
    return %arg0, %c0_i32 : i32, i32
  }
}

module attributes {stable_mosaic.version = 14 : i64} {
  func.func @_stage1_body(%arg0: i32, %arg1: i32, %arg2: memref<24xi32, #tpu.memory_space<smem>>, %arg3: memref<1xi32, #tpu.memory_space<smem>>, %arg4: memref<256x1024xf32, #tpu.memory_space<vmem>>, %arg5: memref<1x1024x2048xf32, #tpu.memory_space<vmem>>, %arg6: memref<1x1x2048xf32, #tpu.memory_space<vmem>>, %arg7: memref<1x1024x2048xf32, #tpu.memory_space<vmem>>, %arg8: memref<1x1x2048xf32, #tpu.memory_space<vmem>>, %arg9: memref<256x2048xbf16, #tpu.memory_space<vmem>>) attributes {dimension_semantics = [#tpu.dimension_semantics<arbitrary>, #tpu.dimension_semantics<arbitrary>], iteration_bounds = array<i64: 2, 24>, scalar_prefetch = 2 : i64, scratch_operands = 0 : i64, tpu.core_type = #tpu.core_type<tc>, window_params = [{transform_indices = @transform_0, window_bounds = array<i64: 256, 1024>}, {transform_indices = @transform_1, window_bounds = array<i64: 1, 1024, 2048>}, {transform_indices = @transform_2, window_bounds = array<i64: 1, 1, 2048>}, {transform_indices = @transform_3, window_bounds = array<i64: 1, 1024, 2048>}, {transform_indices = @transform_4, window_bounds = array<i64: 1, 1, 2048>}, {transform_indices = @transform_5, window_bounds = array<i64: 256, 2048>}]} {
    %get3A = arith.constant 0 : index
    %get3A_0 = memref.load %arg3[%get3A] : memref<1xi32, #tpu.memory_space<smem>>
    %lt3A = arith.cmpi slt, %arg1, %get3A_0 : i32
    %convert_element_type3A = arith.extui %lt3A : i1 to i32
    %cond3A = arith.constant 0 : i32
    %cond3A_1 = arith.cmpi ne, %convert_element_type3A, %cond3A : i32
    scf.if %cond3A_1 {
      %get3A_2 = arith.constant 0 : index
      %get3A_3 = arith.constant 0 : index
      %get3A_4 = vector.load %arg4[%get3A_2, %get3A_3] : memref<256x1024xf32, #tpu.memory_space<vmem>>, vector<256x1024xf32>
      %convert_element_type3A_5 = arith.truncf %get3A_4 : vector<256x1024xf32> to vector<256x1024xbf16>
      %get3A_6 = arith.constant 0 : index
      %get3A_7 = arith.constant 0 : index
      %get3A_8 = arith.constant 0 : index
      %get3A_9 = vector.load %arg5[%get3A_6, %get3A_7, %get3A_8] : memref<1x1024x2048xf32, #tpu.memory_space<vmem>>, vector<1x1024x2048xf32>
      %get3A_10 = vector.shape_cast %get3A_9 : vector<1x1024x2048xf32> to vector<1024x2048xf32>
      %convert_element_type3A_11 = arith.truncf %get3A_10 : vector<1024x2048xf32> to vector<1024x2048xbf16>
      %dot_general3A = arith.constant dense<0.000000e+00> : vector<256x2048xf32>
      %dot_general3A_12 = tpu.matmul %convert_element_type3A_5, %convert_element_type3A_11, %dot_general3A {dimension_numbers = #tpu.dot_dimension_numbers<[1], [0], [0], [1], [0, 0, 1, 1], [], []>, transpose_lhs_hint = false} : vector<256x1024xbf16>, vector<1024x2048xbf16>, vector<256x2048xf32> -> vector<256x2048xf32>
      %get3A_13 = arith.constant 0 : index
      %get3A_14 = arith.constant 0 : index
      %get3A_15 = arith.constant 0 : index
      %get3A_16 = vector.load %arg6[%get3A_13, %get3A_14, %get3A_15] : memref<1x1x2048xf32, #tpu.memory_space<vmem>>, vector<1x1x2048xf32>
      %get3A_17 = vector.shape_cast %get3A_16 : vector<1x1x2048xf32> to vector<1x2048xf32>
      %add3A = vector.broadcast %get3A_17 : vector<1x2048xf32> to vector<256x2048xf32>
      %add3A_18 = arith.addf %dot_general3A_12, %add3A : vector<256x2048xf32>
      %get3A_19 = arith.constant 0 : index
      %get3A_20 = arith.constant 0 : index
      %get3A_21 = arith.constant 0 : index
      %get3A_22 = vector.load %arg7[%get3A_19, %get3A_20, %get3A_21] : memref<1x1024x2048xf32, #tpu.memory_space<vmem>>, vector<1x1024x2048xf32>
      %get3A_23 = vector.shape_cast %get3A_22 : vector<1x1024x2048xf32> to vector<1024x2048xf32>
      %convert_element_type3A_24 = arith.truncf %get3A_23 : vector<1024x2048xf32> to vector<1024x2048xbf16>
      %dot_general3A_25 = arith.constant dense<0.000000e+00> : vector<256x2048xf32>
      %dot_general3A_26 = tpu.matmul %convert_element_type3A_5, %convert_element_type3A_24, %dot_general3A_25 {dimension_numbers = #tpu.dot_dimension_numbers<[1], [0], [0], [1], [0, 0, 1, 1], [], []>, transpose_lhs_hint = false} : vector<256x1024xbf16>, vector<1024x2048xbf16>, vector<256x2048xf32> -> vector<256x2048xf32>
      %get3A_27 = arith.constant 0 : index
      %get3A_28 = arith.constant 0 : index
      %get3A_29 = arith.constant 0 : index
      %get3A_30 = vector.load %arg8[%get3A_27, %get3A_28, %get3A_29] : memref<1x1x2048xf32, #tpu.memory_space<vmem>>, vector<1x1x2048xf32>
      %get3A_31 = vector.shape_cast %get3A_30 : vector<1x1x2048xf32> to vector<1x2048xf32>
      %add3A_32 = vector.broadcast %get3A_31 : vector<1x2048xf32> to vector<256x2048xf32>
      %add3A_33 = arith.addf %dot_general3A_26, %add3A_32 : vector<256x2048xf32>
      %logistic3A = arith.negf %add3A_18 : vector<256x2048xf32>
      %logistic3A_34 = math.exp %logistic3A : vector<256x2048xf32>
      %logistic3A_35 = arith.constant 1.000000e+00 : f32
      %logistic3A_36 = vector.broadcast %logistic3A_35 : f32 to vector<256x2048xf32>
      %logistic3A_37 = arith.addf %logistic3A_36, %logistic3A_34 : vector<256x2048xf32>
      %logistic3A_38 = arith.divf %logistic3A_36, %logistic3A_37 : vector<256x2048xf32>
      %mul3A = arith.mulf %add3A_18, %logistic3A_38 : vector<256x2048xf32>
      %mul3A_39 = arith.mulf %mul3A, %add3A_33 : vector<256x2048xf32>
      %convert_element_type3A_40 = arith.truncf %mul3A_39 : vector<256x2048xf32> to vector<256x2048xbf16>
      %swap3A = arith.constant 0 : index
      %swap3A_41 = arith.constant 0 : index
      %swap3A_42 = vector.load %arg9[%swap3A, %swap3A_41] : memref<256x2048xbf16, #tpu.memory_space<vmem>>, vector<256x2048xbf16>
      tpu.vector_store %arg9[%swap3A, %swap3A_41], %convert_element_type3A_40 {strides = array<i32>} : memref<256x2048xbf16, #tpu.memory_space<vmem>>, vector<256x2048xbf16>,
    } else {
    }
    return
  }
  func.func @transform_0(%arg0: i32, %arg1: i32, %arg2: memref<24xi32, #tpu.memory_space<smem>>, %arg3: memref<1xi32, #tpu.memory_space<smem>>) -> (i32, i32) {
    %c0_i32 = arith.constant 0 : i32
    %c0_i32_0 = arith.constant 0 : i32
    return %arg1, %c0_i32 : i32, i32
  }
  func.func @transform_1(%arg0: i32, %arg1: i32, %arg2: memref<24xi32, #tpu.memory_space<smem>>, %arg3: memref<1xi32, #tpu.memory_space<smem>>) -> (i32, i32, i32) {
    %get3A = arith.index_cast %arg1 : i32 to index
    %get3A_0 = memref.load %arg2[%get3A] : memref<24xi32, #tpu.memory_space<smem>>
    %c0_i32 = arith.constant 0 : i32
    %c0_i32_1 = arith.constant 0 : i32
    return %get3A_0, %c0_i32, %arg0 : i32, i32, i32
  }
  func.func @transform_2(%arg0: i32, %arg1: i32, %arg2: memref<24xi32, #tpu.memory_space<smem>>, %arg3: memref<1xi32, #tpu.memory_space<smem>>) -> (i32, i32, i32) {
    %get3A = arith.index_cast %arg1 : i32 to index
    %get3A_0 = memref.load %arg2[%get3A] : memref<24xi32, #tpu.memory_space<smem>>
    %c0_i32 = arith.constant 0 : i32
    %c0_i32_1 = arith.constant 0 : i32
    return %get3A_0, %c0_i32, %arg0 : i32, i32, i32
  }
  func.func @transform_3(%arg0: i32, %arg1: i32, %arg2: memref<24xi32, #tpu.memory_space<smem>>, %arg3: memref<1xi32, #tpu.memory_space<smem>>) -> (i32, i32, i32) {
    %get3A = arith.index_cast %arg1 : i32 to index
    %get3A_0 = memref.load %arg2[%get3A] : memref<24xi32, #tpu.memory_space<smem>>
    %c0_i32 = arith.constant 0 : i32
    %c0_i32_1 = arith.constant 0 : i32
    return %get3A_0, %c0_i32, %arg0 : i32, i32, i32
  }
  func.func @transform_4(%arg0: i32, %arg1: i32, %arg2: memref<24xi32, #tpu.memory_space<smem>>, %arg3: memref<1xi32, #tpu.memory_space<smem>>) -> (i32, i32, i32) {
    %get3A = arith.index_cast %arg1 : i32 to index
    %get3A_0 = memref.load %arg2[%get3A] : memref<24xi32, #tpu.memory_space<smem>>
    %c0_i32 = arith.constant 0 : i32
    %c0_i32_1 = arith.constant 0 : i32
    return %get3A_0, %c0_i32, %arg0 : i32, i32, i32
  }
  func.func @transform_5(%arg0: i32, %arg1: i32, %arg2: memref<24xi32, #tpu.memory_space<smem>>, %arg3: memref<1xi32, #tpu.memory_space<smem>>) -> (i32, i32) {
    %c0_i32 = arith.constant 0 : i32
    return %arg1, %arg0 : i32, i32
  }
}

</mosaic_0001>

<sc_bundles>
// kernel: kernel.10.cloned.1.call-start
scs
__scs_entry_jumppad:
0x0: {  	(pc) =	sbr.rel $0x88, $3  }
0x1: {  	(tag) =	ssettag $0x0;
	lr =	simm.s32 $0x1  }
0x2: {  	[smem:$0x3F99] =	sst lr;
	_ =	strace $0xD0000000  }
0x3: {  	_ = 	snop  }
0x4: {  	_ = 	snop  }
0x5: {  	_ = 	snop  }
0x6: {  	_ = 	snop  }
0x7: {  	_ = 	snop  }
__scs_overlays_trampoline_lowered:
0x8: {  	[smem:$0x3FA8] =	sst s0  }
0x9: {  	[smem:$0x3FA9] =	sst s1  }
0xa: {  	[smem:$0x3FAA] =	sst s2  }
0xb: {  	[smem:$0x3FAB] =	sst s3  }
0xc: {  	[smem:$0x3FAC] =	sst s4  }
0xd: {  	[smem:$0x3FAD] =	sst s5  }
0xe: {  	[smem:$0x3FAE] =	sst s6  }
0xf: {  	[smem:$0x3FAF] =	sst s7  }
0x10: {  	[smem:$0x3FB0] =	sst s8  }
0x11: {  	[smem:$0x3FB1] =	sst s9;
	s0 =	simm.s32 @!p0 $0x0  }
0x12: {  	s1 =	sld [smem:$0x3F97];
	s0 =	simm.s32 @p0 $0x1  }
0x13: {  	[smem:$0x3FB2] =	sst s0;
	s0 =	simm.s32 @!p1 $0x0  }
0x14: {  	s2 =	sld [smem:$0x3F96];
	s0 =	simm.s32 @p1 $0x1  }
0x15: {  	[smem:$0x3FB3] =	sst s0;
	s0 =	simm.s32 @!p2 $0x0  }
0x16: {  	s3 =	sld [smem:$0x3FDB];
	s0 =	simm.s32 @p2 $0x1  }
0x17: {  	s4 =	simm.s32 $0x1BF5;
	[smem:$0x3FB5] =	sst s0  }
0x18: {  	s0 =	sld [smem:$0x3F98];
	_ =	swait.ge [sflag:s4], $0x0  }
0x19: {  	s7 =	sld [smem:$0x3F99]  }
0x1a: {  	s8 =	sadd.s32 $0xFFFFE003, lr  }
0x1b: {  	s9 =	sadd.s32 $0xFFFFFEF7, lr;
	s5 =	simm.s32 $0xFFFFFFFF;
	p2 =	slt.u32 s8, $0xFFFFF086  }
0x1c: {  	p1 =	slt.u32 s9, $0xF7A;
	s5 =	simm.s32 @!p2 $0x0  }
0x1d: {  	s5 =	simm.s32 @p1 $0x1;
	p0 =	seq.s32 s7, s2  }
0x1e: {  	s7 =	smul.u32 @!p0 $0xF7A, s2;
	p2 =	seq.s32 @!p0 s5, $0x0  }
0x1f: {  	s9 =	smul.u32 $0xF7A, s1;
	s8 =	simm.s32 @!p0 $0x1BF5;
	p2 =	por !p2, p0  }
0x20: {  	[sflag:s8] =	ssyncset.s32 @!p0 $0xFFFFF086;
	s6 =	sadd.s32 @!p0 s3, s7;
	s7 =	simm.s32 @!p0 $0x108  }
0x21: {  	s3 =	sadd.s32 s3, s9;
	s6 =	sadd.s32 @!p0 $0x88, s6;
	s7 =	simm.s32 @p2 $0x1082  }
0x22: {  	[simem:s7], [sflag:s8] =	dma.local @!p0 [hbm:s6], $0xF7A  }
0x23: {  	s9 =	sor.u32 $0xD0000000, s2;
	s6 =	simm.s32 $0x108;
	_ =	swait.ge @!p0 [sflag:s8], $0x0  }
0x24: {  	s3 =	sadd.s32 $0x88, s3;
	s6 =	simm.s32 @!p1 $0x1082;
	[sflag:s4] =	ssyncset.s32 $0xFFFFF086  }
0x25: {  	[simem:s6], [sflag:s4] =	dma.local [hbm:s3], $0xF7A  }
0x26: {  	[smem:$0x3F99] =	sst s1;
	(tag) =	ssettag s2;
	_ =	strace s9  }
0x27: {  	s1 =	sld [smem:$0x3FA9]  }
0x28: {  	s2 =	sld [smem:$0x3FAA]  }
0x29: {  	s4 =	sld [smem:$0x3FAC]  }
0x2a: {  	p0 =	seq.s32 s5, $0x0;
	s5 =	sld [smem:$0x3FAD]  }
0x2b: {  	s6 =	sld [smem:$0x3FAE]  }
0x2c: {  	s7 =	sld [smem:$0x3FAF]  }
0x2d: {  	s3 =	simm.s32 $0x108;
	s8 =	sld [smem:$0x3FB0]  }
0x2e: {  	s3 =	simm.s32 @!p0 $0x1082;
	s9 =	sld [smem:$0x3FB1]  }
0x2f: {  	lr =	sadd.s32 s0, s3;
	s0 =	sld [smem:$0x3FA8]  }
0x30: {  	s3 =	sld [smem:$0x3FAB]  }
0x31: {  	[smem:$0x3FB4] =	sst s10  }
0x32: {  	s10 =	sld [smem:$0x3FB2];
	_ =	sdelay $0x3  }
0x33: {  	p0 =	seq.s32 s10, $0x1;
	s10 =	sld [smem:$0x3FB4];
	_ =	sdelay $0x3  }
0x34: {  	[smem:$0x3FB4] =	sst s10  }
0x35: {  	s10 =	sld [smem:$0x3FB3];
	_ =	sdelay $0x3  }
0x36: {  	p1 =	seq.s32 s10, $0x1;
	s10 =	sld [smem:$0x3FB4];
	_ =	sdelay $0x3  }
0x37: {  	[smem:$0x3FB4] =	sst s10  }
0x38: {  	s10 =	sld [smem:$0x3FB5]  }
0x39: {  	_ = 	snop;
	(pc) =	sbr.ind lr, $3  }
0x3a: {  	_ = 	snop  }
0x3b: {  	_ = 	snop  }
0x3c: {  	p2 =	seq.s32 s10, $0x1;
	s10 =	sld [smem:$0x3FB4]  }
0x3d: {  	_ =	shalt  }
0x3e: {  	_ =	shalt  }
0x3f: {  	_ =	shalt  }
0x40: {  	_ =	shalt  }
0x41: {  	_ =	shalt  }
0x42: {  	_ =	shalt  }
0x43: {  	_ =	shalt  }
0x44: {  	_ =	shalt  }
0x45: {  	_ =	shalt  }
0x46: {  	_ =	shalt  }
0x47: {  	_ =	shalt  }
0x48: {  	_ =	shalt  }
0x49: {  	_ =	shalt  }
0x4a: {  	_ =	shalt  }
0x4b: {  	_ =	shalt  }
0x4c: {  	_ =	shalt  }
0x4d: {  	_ =	shalt  }
0x4e: {  	_ =	shalt  }
0x4f: {  	_ =	shalt  }
0x50: {  	_ =	shalt  }
0x51: {  	_ =	shalt  }
0x52: {  	_ =	shalt  }
0x53: {  	_ =	shalt  }
0x54: {  	_ =	shalt  }
0x55: {  	_ =	shalt  }
0x56: {  	_ =	shalt  }
0x57: {  	_ =	shalt  }
0x58: {  	_ =	shalt  }
0x59: {  	_ =	shalt  }
0x5a: {  	_ =	shalt  }
0x5b: {  	_ =	shalt  }
0x5c: {  	_ =	shalt  }
0x5d: {  	_ =	shalt  }
0x5e: {  	_ =	shalt  }
0x5f: {  	_ =	shalt  }
0x60: {  	_ =	shalt  }
0x61: {  	_ =	shalt  }
0x62: {  	_ =	shalt  }
0x63: {  	_ =	shalt  }
0x64: {  	_ =	shalt  }
0x65: {  	_ =	shalt  }
0x66: {  	_ =	shalt  }
0x67: {  	_ =	shalt  }
0x68: {  	_ =	shalt  }
0x69: {  	_ =	shalt  }
0x6a: {  	_ =	shalt  }
0x6b: {  	_ =	shalt  }
0x6c: {  	_ =	shalt  }
0x6d: {  	_ =	shalt  }
0x6e: {  	_ =	shalt  }
0x6f: {  	_ =	shalt  }
0x70: {  	_ =	shalt  }
0x71: {  	_ =	shalt  }
0x72: {  	_ =	shalt  }
0x73: {  	_ =	shalt  }
0x74: {  	_ =	shalt  }
0x75: {  	_ =	shalt  }
0x76: {  	_ =	shalt  }
0x77: {  	_ =	shalt  }
0x78: {  	_ =	shalt  }
0x79: {  	_ =	shalt  }
0x7a: {  	_ =	shalt  }
0x7b: {  	_ =	shalt  }
0x7c: {  	_ =	shalt  }
0x7d: {  	_ =	shalt  }
0x7e: {  	_ =	shalt  }
0x7f: {  	_ =	shalt  }
0x80: {  	_ =	shalt  }
0x81: {  	_ =	shalt  }
0x82: {  	_ =	shalt  }
0x83: {  	_ =	shalt  }
0x84: {  	_ =	shalt  }
0x85: {  	_ =	shalt  }
0x86: {  	_ =	shalt  }
0x87: {  	_ =	shalt  }
.Lfunc_end0:
.L_simem_size_0:
called_computation.1_lowered:
.L_overlay_start_0:
0x88: {  	s2 =	sld [smem:$0x3FD9]  }
0x89: {  	s3 =	sld [smem:$0x3FFE];
	_ =	sdelay $0x1  }
0x8a: {  	s1 =	srdreg.scid  }
0x8b: {  	s0 =	sand.u32 $0x1, s1  }
0x8c: {  	s14 =	sshll.u32 s0, $0xA;
	s2 =	sadd.s32 s3, s2  }
0x8d: {  	s2 =	sadd.s32 s2, s14  }
0x8e: {  	[smem:$0x3FC0] =	sst s2  }
0x8f: {  	_ = 	snop  }
0x90: {  	s2 =	sld [smem:$0x3FD0];
	_ =	sdelay $0x2  }
0x91: {  	s15 =	simm.s32 $0xA;
	s4 =	simm.s32 $0x10  }
0x92: {  	[smem:s4], [sflag:s15] =	dma.local [hbm:s2], $0x1  }
0x93: {  	_ =	swait.eq [sflag:s15], $0x1  }
0x94: {  	[sflag:s15] =	ssyncset.done $0x0  }
0x95: {  	[sflag:s15] =	ssyncadd.s32 $0xFFFFFFFF  }
0x96: {  	s16 =	sld [smem:$0x10];
	(tm) =	ssettm $0x1  }
0x97: {  	s17 =	sld [smem:$0x3FFB];
	_ =	sdelay $0x3  }
0x98: {  	_ =	strace s17  }
0x99: {  	s3 =	sld [smem:$0x3FFC];
	_ =	sdelay $0x3  }
0x9a: {  	_ =	strace s3  }
0x9b: {  	s3 =	sld [smem:$0x3FFD];
	_ =	sdelay $0x3  }
0x9c: {  	_ =	strace s3  }
0x9d: {  	_ =	strace $0x8FFFFFFF  }
0x9e: {  	s18 =	sld [smem:$0x3FDB];
	_ =	sdelay $0x1  }
0x9f: {  	s19 =	simm.s32 $_scs_section_size  }
0xa0: {  	s5 =	simm.s32 $_size__tile_overlayer_lowered;
	s6 =	simm.s32 $_tile_overlayer_lowered  }
0xa1: {  	s22 =	simm.s32 $0x1BFF;
	s21 =	sshll.u32 s6, $0x1;
	s3 =	sadd.s32 s19, s18  }
0xa2: {  	s7 =	simm.s32 $0x0;
	s20 =	sshll.u32 s5, $0x1;
	s5 =	sadd.s32 s21, s3  }
0xa3: {  	[timem:s7], [sflag:s22] =	dma.local [hbm:s5], s20  }
0xa4: {  	_ =	swait.ge [sflag:s22], s20  }
0xa5: {  	s4 =	ssub.s32 $0x0, s20;
	[sflag:s22] =	ssyncset.done $0x0  }
0xa6: {  	[sflag:s22] =	ssyncadd.s32 s4;
	_ =	sdelay $0x1  }
0xa7: {  	s23 =	simm.s32 $0x1B8B  }
0xa8: {  	_ =	swait.ge [sflag:s23], $0x1  }
0xa9: {  	[sflag:s23] =	ssyncset.done $0x0  }
0xaa: {  	s25 =	simm.s32 $0x1B8E;
	s24 =	sld [smem:$0x3FFE];
	[sflag:s23] =	ssyncadd.s32 $0xFFFFFFFF  }
0xab: {  	s26 =	simm.s32 $execute0_lowered;
	[smem:$0x3FD2] =	sst s25  }
0xac: {  	s5 =	sshll.u32 s26, $0x1;
	_ =	strace $0x80000049;
	[dreg:$0x1] =	wrdreg $0xFFFFFFFF  }
0xad: {  	s28 =	simm.s32 $_size_execute0_lowered;
	s3 =	sadd.s32 s3, s5;
	[dreg:$0x0] =	wrdreg $0x0  }
0xae: {  	s5 =	sshll.u32 s28, $0x1;
	[dreg:$0x2] =	wrdreg s3  }
0xaf: {  	[dreg:$0x3] =	wrdreg s5  }
0xb0: {  	[dreg:$0x4] =	wrdreg $0xC0  }
0xb1: {  	_ =	task [dreg:s7], $0x5FFFF  }
0xb2: {  	[dreg:$0x1] =	wrdreg $0xFFFFFFFF  }
0xb3: {  	[dreg:$0x0] =	wrdreg $0x60  }
0xb4: {  	[dreg:$0x2] =	wrdreg s24  }
0xb5: {  	[dreg:$0x3] =	wrdreg s16  }
0xb6: {  	[dreg:$0x4] =	wrdreg $0x9  }
0xb7: {  	_ =	task.clear_ibuf [dreg:s7], $0x5FFFF;
	_ =	strace $0x90000049  }
0xb8: {  	s29 =	simm.s32 $0x9;
	_ =	strace $0x8000004B  }
0xb9: {  	_ =	swait.ge [sflag:s29], $0x1  }
0xba: {  	[sflag:s29] =	ssyncadd.s32 $0xFFFFFFFF  }
0xbb: {  	_ =	strace $0x9000004B  }
0xbc: {  	_ =	sfence  }
0xbd: {  	s30 =	sld [smem:$0x0];
	_ =	sdelay $0x2  }
0xbe: {  	s31 =	sshll.u32 s1, $0xD;
	s1 =	sshrl.u32 s1, $0x2  }
0xbf: {  	s3 =	sand.u32 $0x4000, s31;
	s1 =	sadd.s32 s1, s30  }
0xc0: {  	s0 =	sor.u32 s3, s0;
	s1 =	sshll.u32 s1, $0x11  }
0xc1: {  	s0 =	sor.u32 s1, s0  }
0xc2: {  	s0 =	sadd.s32 $0x8F2B, s0  }
0xc3: {  	[sflag:s0] =	ssyncadd.remote.s32 $0x1  }
0xc4: {  	_ =	sfence.sel $0xFFFF  }
0xc5: {  	[dreg:$0x0] =	wrdreg $0xFFFFFFFF;
	(pc) =	sbr.abs _section_cstart, $3  }
0xc6: {  	[dreg:$0x1] =	wrdreg $0xFFFFFFFF  }
0xc7: {  	_ =	task.clear_ibuf [dreg:s7], $0x2FFFF;
	_ =	strace $0x9FFFFFFF  }
0xc8: {  	(tm) =	ssettm $0x7FFFFFFF  }
0xc9: {  	_ =	shalt  }
tec
execute0_lowered:
.L_overlay_start_1:
0x0: {  	(tag) =	ssettag $0x1  }
0x1: {  	s0 =	rddreg [dreg:$0x0]  }
0x2: {  	s1 =	rddreg [dreg:$0x1];
	s2 =	simm.s32 $0x0;
	s3 =	srdreg.scid  }
0x3: {  	s5 =	stileid.u32;
	s14 =	simm.s32 $0x2;
	s16 =	simm.s32 $0x100  }
0x4: {  	s15 =	simm.s32 $0x9900;
	s17 =	simm.s32 $0xA900;
	s18 =	simm.s32 $0xB900  }
0x5: {  	s19 =	simm.s32 $0xC100;
	s20 =	simm.s32 $0xD100;
	s12 =	simm.s32 $0xD900  }
0x6: {  	s21 =	simm.s32 $0xE100;
	s13 =	simm.s32 $0xE900;
	s22 =	simm.s32 $0xF100  }
0x7: {  	[smem:$0x7FF] =	sst s2;
	s4 =	sand.u32 $0x1, s3;
	s3 =	sadd.s32 $0x19400, s0  }
0x8: {  	s5 =	sshll.u32 s5, $0x7;
	s9 =	sadd.s32 $0x19000, s0;
	s10 =	sadd.s32 $0x19200, s0  }
0x9: {  	s8 =	sadd.s32 $0x19700, s0;
	s6 =	sshll.u32 s4, $0x6;
	s4 =	ssub.s32 $0x2, s4  }
0xa: {  	_ =	strace $0x8000004A;
	s5 =	sor.u32 s6, s5;
	s23 =	sshrl.u32 s4, $0x1  }
0xb: {  	s6 =	sadd.s32 $0x19500, s0;
	s7 =	sshrl.u32 s5, $0x3;
	s4 =	ssub.s32 s4, s23  }
0xc: {  	s11 =	sor.u32 $0x20, s5;
	s26 =	sshll.u32 s5, $0x7;
	s23 =	simm.s32 $0xF900  }
0xd: {  	s24 =	sadd.s32 s9, s7;
	s25 =	sadd.s32 s10, s7;
	s7 =	sadd.s32 $0x19600, s0  }
0xe: {  	s28 =	sshrl.u32 s11, $0x3;
	s0 =	sadd.s32 s1, s26;
	[dreg:$0x3] =	wrdreg s24  }
0xf: {  	s30 =	sshll.u32 s11, $0x7;
	s31 =	smax.u32 s4, $0x1;
	[dreg:$0x4] =	wrdreg s25  }
0x10: {  	s4 =	simm.s32 $0x8900;
	s11 =	simm.s32 $0xC900;
	[dreg:$0x5] =	wrdreg s0  }
0x11: {  	s29 =	sadd.s32 s9, s28;
	s5 =	sadd.s32 s10, s28;
	[dreg:$0x9] =	wrdreg s31  }
0x12: {  	v2 =	vlaneseq.u32;
	s0 =	sadd.s32 s1, s30;
	s9 =	simm.s32 $0xA100;
	[dreg:$0x6] =	wrdreg s29  }
0x13: {  	vm0 =	vmmov $0xffff;
	v1 =	vshrl.u32 v2, $0x3;
	s10 =	simm.s32 $0xB100;
	s24 =	simm.s32 $0x1;
	[dreg:$0x7] =	wrdreg s5  }
0x14: {  	v0 =	vand.u32 $0x7, v2;
	v2 =	vor.u32 $0x8, v2;
	v1 =	vmul.u32 $0x8, v1;
	s25 =	simm.s32 $0x0;
	[dreg:$0x8] =	wrdreg s0;
	s5 =	simm.s32 $0x9100  }
.LBB2_1:
0x15: {  	s0 =	rddreg [dreg:$0x3]  }
0x16: {  	[tilespmem:s2], [sflag:$0x2] =	stream.linear.gather [hbm4b:s0+s2], $0x20, $0x38;
	[tilespmem:$0x10100] =	vst v63  }
0x17: {  	_ =	swait.ge [sflag:s14], $0x20  }
0x18: {  	[sflag:s14] =	ssyncset.done $0x0  }
0x19: {  	s1 =	simm.s32 $0x80;
	s31 =	rddreg [dreg:$0x4];
	[sflag:s14] =	ssyncadd.s32 $0xFFFFFFE0  }
0x1a: {  	[tilespmem:s1], [sflag:$0x2] =	stream.linear.gather [hbm4b:s31+s2], $0x20, $0x38;
	[tilespmem:$0x10100] =	vst v63  }
0x1b: {  	_ =	swait.ge [sflag:s14], $0x20  }
0x1c: {  	[sflag:s14] =	ssyncset.done $0x0  }
0x1d: {  	[sflag:s14] =	ssyncadd.s32 $0xFFFFFFE0  }
0x1e: {  	v3 =	vld [tilespmem:$0x0];
	_ =	sdelay $0x4  }
0x1f: {  	v4 =	vshll.u32 v3, $0x3  }
0x20: {  	v3 =	vand.u32 $0x7, v3;
	v4 =	vand.u32 $0xFFFFFFC0, v4  }
0x21: {  	v3 =	vor.u32 v3, v4  }
0x22: {  	v4 =	vperm.xlane v3, v0;
	_ =	sdelay $0x1  }
0x23: {  	v4 =	vadd.s32 v1, v4;
	_ =	sdelay $0x4  }
0x24: {  	[tilespmem:s16], [sflag:$0x1] =	stream.indirect_vreg.gather [hbm4b:s3+s2], $0x80, v4, vm0, $0xb8;
	[tilespmem:$0x10100] =	vst v63  }
0x25: {  	s1 =	simm.s32 $0x900;
	v3 =	vperm.xlane v3, v2  }
0x26: {  	[tilespmem:s1], [sflag:$0x1] =	stream.indirect_vreg.gather [hbm4b:s6+s2], $0x80, v4, vm0, $0xb8;
	[tilespmem:$0x10100] =	vst v63  }
0x27: {  	s26 =	simm.s32 $0x1100;
	v3 =	vadd.s32 v1, v3  }
0x28: {  	[tilespmem:s26], [sflag:$0x1] =	stream.indirect_vreg.gather [hbm4b:s7+s2], $0x80, v4, vm0, $0xb8;
	[tilespmem:$0x10100] =	vst v63  }
0x29: {  	s30 =	simm.s32 $0x1900  }
0x2a: {  	[tilespmem:s30], [sflag:$0x1] =	stream.indirect_vreg.gather [hbm4b:s8+s2], $0x80, v4, vm0, $0xb8;
	[tilespmem:$0x10100] =	vst v63  }
0x2b: {  	s31 =	simm.s32 $0x2100  }
0x2c: {  	[tilespmem:s31], [sflag:$0x1] =	stream.indirect_vreg.gather [hbm4b:s3+s2], $0x80, v3, vm0, $0xb8;
	[tilespmem:$0x10100] =	vst v63  }
0x2d: {  	s1 =	simm.s32 $0x2900  }
0x2e: {  	[tilespmem:s1], [sflag:$0x1] =	stream.indirect_vreg.gather [hbm4b:s6+s2], $0x80, v3, vm0, $0xb8;
	[tilespmem:$0x10100] =	vst v63  }
0x2f: {  	s26 =	simm.s32 $0x3100  }
0x30: {  	[tilespmem:s26], [sflag:$0x1] =	stream.indirect_vreg.gather [hbm4b:s7+s2], $0x80, v3, vm0, $0xb8;
	[tilespmem:$0x10100] =	vst v63  }
0x31: {  	s30 =	simm.s32 $0x3900  }
0x32: {  	[tilespmem:s30], [sflag:$0x1] =	stream.indirect_vreg.gather [hbm4b:s8+s2], $0x80, v3, vm0, $0xb8;
	[tilespmem:$0x10100] =	vst v63  }
0x33: {  	v3 =	vld [tilespmem:$0x10];
	_ =	sdelay $0x4  }
0x34: {  	v61 =	vshll.u32 v3, $0x3  }
0x35: {  	v3 =	vand.u32 $0x7, v3;
	v4 =	vand.u32 $0xFFFFFFC0, v61  }
0x36: {  	v3 =	vor.u32 v3, v4  }
0x37: {  	v4 =	vperm.xlane v3, v0;
	_ =	sdelay $0x1  }
0x38: {  	v4 =	vadd.s32 v1, v4;
	_ =	sdelay $0x3  }
0x39: {  	s31 =	simm.s32 $0x4100  }
0x3a: {  	[tilespmem:s31], [sflag:$0x1] =	stream.indirect_vreg.gather [hbm4b:s3+s2], $0x80, v4, vm0, $0xb8;
	[tilespmem:$0x10100] =	vst v63  }
0x3b: {  	s1 =	simm.s32 $0x4900;
	v3 =	vperm.xlane v3, v2  }
0x3c: {  	[tilespmem:s1], [sflag:$0x1] =	stream.indirect_vreg.gather [hbm4b:s6+s2], $0x80, v4, vm0, $0xb8;
	[tilespmem:$0x10100] =	vst v63  }
0x3d: {  	s26 =	simm.s32 $0x5100;
	v3 =	vadd.s32 v1, v3  }
0x3e: {  	[tilespmem:s26], [sflag:$0x1] =	stream.indirect_vreg.gather [hbm4b:s7+s2], $0x80, v4, vm0, $0xb8;
	[tilespmem:$0x10100] =	vst v63  }
0x3f: {  	s30 =	simm.s32 $0x5900  }
0x40: {  	[tilespmem:s30], [sflag:$0x1] =	stream.indirect_vreg.gather [hbm4b:s8+s2], $0x80, v4, vm0, $0xb8;
	[tilespmem:$0x10100] =	vst v63  }
0x41: {  	s31 =	simm.s32 $0x6100  }
0x42: {  	[tilespmem:s31], [sflag:$0x1] =	stream.indirect_vreg.gather [hbm4b:s3+s2], $0x80, v3, vm0, $0xb8;
	[tilespmem:$0x10100] =	vst v63  }
0x43: {  	s1 =	simm.s32 $0x6900  }
0x44: {  	[tilespmem:s1], [sflag:$0x1] =	stream.indirect_vreg.gather [hbm4b:s6+s2], $0x80, v3, vm0, $0xb8;
	[tilespmem:$0x10100] =	vst v63  }
0x45: {  	s26 =	simm.s32 $0x7100  }
0x46: {  	[tilespmem:s26], [sflag:$0x1] =	stream.indirect_vreg.gather [hbm4b:s7+s2], $0x80, v3, vm0, $0xb8;
	[tilespmem:$0x10100] =	vst v63  }
0x47: {  	s30 =	simm.s32 $0x7900  }
0x48: {  	[tilespmem:s30], [sflag:$0x1] =	stream.indirect_vreg.gather [hbm4b:s8+s2], $0x80, v3, vm0, $0xb8;
	[tilespmem:$0x10100] =	vst v63  }
0x49: {  	v3 =	vld [tilespmem:$0x80];
	_ =	sdelay $0x4  }
0x4a: {  	v62 =	vshll.u32 v3, $0x3  }
0x4b: {  	v3 =	vand.u32 $0x7, v3;
	v4 =	vand.u32 $0xFFFFFFC0, v62  }
0x4c: {  	v3 =	vor.u32 v3, v4  }
0x4d: {  	v4 =	vperm.xlane v3, v0;
	_ =	sdelay $0x1  }
0x4e: {  	v4 =	vadd.s32 v1, v4;
	_ =	sdelay $0x3  }
0x4f: {  	s31 =	simm.s32 $0x8100  }
0x50: {  	[tilespmem:s31], [sflag:$0x1] =	stream.indirect_vreg.gather [hbm4b:s3+s2], $0x80, v4, vm0, $0xb8;
	[tilespmem:$0x10100] =	vst v63  }
0x51: {  	v3 =	vperm.xlane v3, v2  }
0x52: {  	[tilespmem:s4], [sflag:$0x1] =	stream.indirect_vreg.gather [hbm4b:s6+s2], $0x80, v4, vm0, $0xb8;
	[tilespmem:$0x10100] =	vst v63  }
0x53: {  	v3 =	vadd.s32 v1, v3  }
0x54: {  	[tilespmem:s5], [sflag:$0x1] =	stream.indirect_vreg.gather [hbm4b:s7+s2], $0x80, v4, vm0, $0xb8;
	[tilespmem:$0x10100] =	vst v63  }
0x55: {  	_ = 	snop  }
0x56: {  	[tilespmem:s15], [sflag:$0x1] =	stream.indirect_vreg.gather [hbm4b:s8+s2], $0x80, v4, vm0, $0xb8;
	[tilespmem:$0x10100] =	vst v63  }
0x57: {  	_ = 	snop  }
0x58: {  	[tilespmem:s9], [sflag:$0x1] =	stream.indirect_vreg.gather [hbm4b:s3+s2], $0x80, v3, vm0, $0xb8;
	[tilespmem:$0x10100] =	vst v63  }
0x59: {  	_ = 	snop  }
0x5a: {  	[tilespmem:s17], [sflag:$0x1] =	stream.indirect_vreg.gather [hbm4b:s6+s2], $0x80, v3, vm0, $0xb8;
	[tilespmem:$0x10100] =	vst v63  }
0x5b: {  	_ = 	snop  }
0x5c: {  	[tilespmem:s10], [sflag:$0x1] =	stream.indirect_vreg.gather [hbm4b:s7+s2], $0x80, v3, vm0, $0xb8;
	[tilespmem:$0x10100] =	vst v63  }
0x5d: {  	_ = 	snop  }
0x5e: {  	[tilespmem:s18], [sflag:$0x1] =	stream.indirect_vreg.gather [hbm4b:s8+s2], $0x80, v3, vm0, $0xb8;
	[tilespmem:$0x10100] =	vst v63  }
0x5f: {  	v3 =	vld [tilespmem:$0x90];
	_ =	sdelay $0x4  }
0x60: {  	v63 =	vshll.u32 v3, $0x3  }
0x61: {  	v3 =	vand.u32 $0x7, v3;
	v4 =	vand.u32 $0xFFFFFFC0, v63  }
0x62: {  	v3 =	vor.u32 v3, v4  }
0x63: {  	v4 =	vperm.xlane v3, v0;
	_ =	sdelay $0x1  }
0x64: {  	v4 =	vadd.s32 v1, v4;
	_ =	sdelay $0x4  }
0x65: {  	[tilespmem:s19], [sflag:$0x1] =	stream.indirect_vreg.gather [hbm4b:s3+s2], $0x80, v4, vm0, $0xb8;
	[tilespmem:$0x10100] =	vst v63  }
0x66: {  	v3 =	vperm.xlane v3, v2  }
0x67: {  	[tilespmem:s11], [sflag:$0x1] =	stream.indirect_vreg.gather [hbm4b:s6+s2], $0x80, v4, vm0, $0xb8;
	[tilespmem:$0x10100] =	vst v63  }
0x68: {  	v3 =	vadd.s32 v1, v3  }
0x69: {  	[tilespmem:s20], [sflag:$0x1] =	stream.indirect_vreg.gather [hbm4b:s7+s2], $0x80, v4, vm0, $0xb8;
	[tilespmem:$0x10100] =	vst v63  }
0x6a: {  	_ = 	snop  }
0x6b: {  	[tilespmem:s12], [sflag:$0x1] =	stream.indirect_vreg.gather [hbm4b:s8+s2], $0x80, v4, vm0, $0xb8;
	[tilespmem:$0x10100] =	vst v63  }
0x6c: {  	_ = 	snop  }
0x6d: {  	[tilespmem:s21], [sflag:$0x1] =	stream.indirect_vreg.gather [hbm4b:s3+s2], $0x80, v3, vm0, $0xb8;
	[tilespmem:$0x10100] =	vst v63  }
0x6e: {  	_ = 	snop  }
0x6f: {  	[tilespmem:s13], [sflag:$0x1] =	stream.indirect_vreg.gather [hbm4b:s6+s2], $0x80, v3, vm0, $0xb8;
	[tilespmem:$0x10100] =	vst v63  }
0x70: {  	_ = 	snop  }
0x71: {  	[tilespmem:s22], [sflag:$0x1] =	stream.indirect_vreg.gather [hbm4b:s7+s2], $0x80, v3, vm0, $0xb8;
	[tilespmem:$0x10100] =	vst v63  }
0x72: {  	_ = 	snop  }
0x73: {  	[tilespmem:s23], [sflag:$0x1] =	stream.indirect_vreg.gather [hbm4b:s8+s2], $0x80, v3, vm0, $0xb8;
	[tilespmem:$0x10100] =	vst v63  }
0x74: {  	_ =	swait.ge [sflag:s24], $0x8000  }
0x75: {  	[sflag:s24] =	ssyncset.done $0x0  }
0x76: {  	[sflag:s24] =	ssyncadd.s32 $0xFFFF8000  }
0x77: {  	_ =	swait.ge [sflag:s24], $0x8000  }
0x78: {  	s28 =	simm.s32 $0x0;
	[sflag:s24] =	ssyncset.done $0x0  }
0x79: {  	s29 =	simm.s32 $0x0;
	s26 =	simm.s32 $0x0;
	[sflag:s24] =	ssyncadd.s32 $0xFFFF8000  }
.LBB2_2:
0x7a: {  	s0 =	sshll.u32 s28, $0x2;
	s1 =	sand.u32 $0x7, s26  }
0x7b: {  	s0 =	sand.u32 $0xFFFF8000, s0;
	s1 =	sshll.u32 s1, $0x9  }
0x7c: {  	s0 =	sor.u32 s1, s0  }
0x7d: {  	s0 =	sshrl.u32 s0, $0x2  }
0x7e: {  	s30 =	sadd.s32 $0x140, s0  }
0x7f: {  	s31 =	sadd.s32 $0x8140, s0;
	v3 =	vld [tilespmem:s30+$0xFFFFFFC0]  }
0x80: {  	v4 =	vld [tilespmem:s31+$0xFFFFFFC0];
	_ =	sdelay $0x4  }
0x81: {  	v3 =	vadd.f32 v4, v3;
	_ =	sdelay $0x1  }
0x82: {  	[tilespmem:s30+$0xFFFFFFC0] =	vst v3;
	v3 =	vld [tilespmem:s30+$0xFFFFFFD0]  }
0x83: {  	v4 =	vld [tilespmem:s31+$0xFFFFFFD0];
	_ =	sdelay $0x4  }
0x84: {  	v3 =	vadd.f32 v4, v3;
	_ =	sdelay $0x1  }
0x85: {  	[tilespmem:s30+$0xFFFFFFD0] =	vst v3;
	v3 =	vld [tilespmem:s30+$0xFFFFFFE0]  }
0x86: {  	v4 =	vld [tilespmem:s31+$0xFFFFFFE0];
	_ =	sdelay $0x4  }
0x87: {  	v3 =	vadd.f32 v4, v3;
	_ =	sdelay $0x1  }
0x88: {  	[tilespmem:s30+$0xFFFFFFE0] =	vst v3;
	v3 =	vld [tilespmem:s30+$0xFFFFFFF0]  }
0x89: {  	v4 =	vld [tilespmem:s31+$0xFFFFFFF0];
	_ =	sdelay $0x4  }
0x8a: {  	v3 =	vadd.f32 v4, v3;
	_ =	sdelay $0x1  }
0x8b: {  	[tilespmem:s30+$0xFFFFFFF0] =	vst v3;
	v3 =	vld [tilespmem:s30+$0x0]  }
0x8c: {  	v4 =	vld [tilespmem:s31+$0x0];
	_ =	sdelay $0x4  }
0x8d: {  	v3 =	vadd.f32 v4, v3;
	_ =	sdelay $0x1  }
0x8e: {  	[tilespmem:s30+$0x0] =	vst v3;
	v3 =	vld [tilespmem:s30+$0x10]  }
0x8f: {  	v4 =	vld [tilespmem:s31+$0x10];
	_ =	sdelay $0x4  }
0x90: {  	v3 =	vadd.f32 v4, v3;
	_ =	sdelay $0x1  }
0x91: {  	[tilespmem:s30+$0x10] =	vst v3;
	v3 =	vld [tilespmem:s30+$0x20]  }
0x92: {  	v4 =	vld [tilespmem:s31+$0x20];
	_ =	sdelay $0x4  }
0x93: {  	v3 =	vadd.f32 v4, v3;
	_ =	sdelay $0x1  }
0x94: {  	[tilespmem:s30+$0x20] =	vst v3;
	v3 =	vld [tilespmem:s30+$0x30]  }
0x95: {  	v4 =	vld [tilespmem:s31+$0x30];
	_ =	sdelay $0x4  }
0x96: {  	v3 =	vadd.f32 v4, v3  }
0x97: {  	s0 =	simm.s32 $0x0;
	s1 =	sadd.s32 $0x400, s30  }
.LBB2_3:
0x98: {  	v4 =	vld [tilespmem:s1+$0xFFFFFFC0];
	[tilespmem:s30+$0x30] =	vst v3;
	s31 =	sadd.s32 $0x400, s31;
	s30 =	smov.u32 s1  }
0x99: {  	s0 =	sadd.s32 $0x8, s0;
	v3 =	vld [tilespmem:s31+$0xFFFFFFC0]  }
0x9a: {  	p0 =	slt.u32 s0, $0x38;
	_ =	sdelay $0x3  }
0x9b: {  	v3 =	vadd.f32 v3, v4;
	_ =	sdelay $0x1  }
0x9c: {  	[tilespmem:s1+$0xFFFFFFC0] =	vst v3;
	v3 =	vld [tilespmem:s1+$0xFFFFFFD0]  }
0x9d: {  	v4 =	vld [tilespmem:s31+$0xFFFFFFD0];
	_ =	sdelay $0x4  }
0x9e: {  	v3 =	vadd.f32 v4, v3;
	_ =	sdelay $0x1  }
0x9f: {  	[tilespmem:s1+$0xFFFFFFD0] =	vst v3;
	v3 =	vld [tilespmem:s1+$0xFFFFFFE0]  }
0xa0: {  	v4 =	vld [tilespmem:s31+$0xFFFFFFE0];
	_ =	sdelay $0x4  }
0xa1: {  	v3 =	vadd.f32 v4, v3;
	_ =	sdelay $0x1  }
0xa2: {  	[tilespmem:s1+$0xFFFFFFE0] =	vst v3;
	v3 =	vld [tilespmem:s1+$0xFFFFFFF0]  }
0xa3: {  	v4 =	vld [tilespmem:s31+$0xFFFFFFF0];
	_ =	sdelay $0x4  }
0xa4: {  	v3 =	vadd.f32 v4, v3;
	_ =	sdelay $0x1  }
0xa5: {  	[tilespmem:s1+$0xFFFFFFF0] =	vst v3;
	v3 =	vld [tilespmem:s1+$0x0]  }
0xa6: {  	v4 =	vld [tilespmem:s31+$0x0];
	_ =	sdelay $0x4  }
0xa7: {  	v3 =	vadd.f32 v4, v3;
	_ =	sdelay $0x1  }
0xa8: {  	[tilespmem:s1+$0x0] =	vst v3;
	v3 =	vld [tilespmem:s1+$0x10]  }
0xa9: {  	v4 =	vld [tilespmem:s31+$0x10];
	_ =	sdelay $0x4  }
0xaa: {  	v3 =	vadd.f32 v4, v3;
	_ =	sdelay $0x1  }
0xab: {  	[tilespmem:s1+$0x10] =	vst v3;
	v3 =	vld [tilespmem:s1+$0x20]  }
0xac: {  	v4 =	vld [tilespmem:s31+$0x20];
	_ =	sdelay $0x4  }
0xad: {  	v3 =	vadd.f32 v4, v3;
	_ =	sdelay $0x1  }
0xae: {  	[tilespmem:s1+$0x20] =	vst v3;
	v3 =	vld [tilespmem:s1+$0x30]  }
0xaf: {  	v4 =	vld [tilespmem:s31+$0x30];
	_ =	sdelay $0x1  }
.Ltmp0:
0xb0: {  	(pc) =	sbr.rel @p0 .LBB2_3-.Ltmp0, $3  }
0xb1: {  	_ =	sdelay $0x1  }
0xb2: {  	v3 =	vadd.f32 v4, v3  }
0xb3: {  	s1 =	sadd.s32 $0x400, s1  }
0xb4: {  	s29 =	sadd.s32 $0x1, s29  }
0xb5: {  	p0 =	sne.s32 s29, $0x20  }
.Ltmp1:
0xb6: {  	_ = 	snop;
	(pc) =	sbr.rel @p0 .LBB2_2-.Ltmp1, $2  }
0xb7: {  	_ =	sdelay $0x2  }
0xb8: {  	[tilespmem:s30+$0x30] =	vst v3;
	s28 =	sadd.s32 $0x400, s28;
	s26 =	sadd.s32 $0x1, s26  }
0xb9: {  	s26 =	simm.s32 $0x0;
	s0 =	rddreg [dreg:$0x5]  }
0xba: {  	[hbm4b:s0+s26] =	stream.linear.scatter [tilespmem:s16], [sflag:$0x2], $0x8000, $0x38;
	[tilespmem:$0x10100] =	vst v63  }
0xbb: {  	_ =	swait.ge [sflag:s14], $0x8000  }
0xbc: {  	[sflag:s14] =	ssyncset.done $0x0  }
0xbd: {  	s1 =	rddreg [dreg:$0x6];
	[sflag:s14] =	ssyncadd.s32 $0xFFFF8000  }
0xbe: {  	[tilespmem:s26], [sflag:$0x2] =	stream.linear.gather [hbm4b:s1+s26], $0x20, $0x38;
	[tilespmem:$0x10100] =	vst v63  }
0xbf: {  	_ =	swait.ge [sflag:s14], $0x20  }
0xc0: {  	[sflag:s14] =	ssyncset.done $0x0  }
0xc1: {  	s1 =	simm.s32 $0x80;
	s30 =	rddreg [dreg:$0x7];
	[sflag:s14] =	ssyncadd.s32 $0xFFFFFFE0  }
0xc2: {  	[tilespmem:s1], [sflag:$0x2] =	stream.linear.gather [hbm4b:s30+s26], $0x20, $0x38;
	[tilespmem:$0x10100] =	vst v63  }
0xc3: {  	_ =	swait.ge [sflag:s14], $0x20  }
0xc4: {  	[sflag:s14] =	ssyncset.done $0x0  }
0xc5: {  	[sflag:s14] =	ssyncadd.s32 $0xFFFFFFE0  }
0xc6: {  	v3 =	vld [tilespmem:$0x0];
	_ =	sdelay $0x4  }
0xc7: {  	v4 =	vshll.u32 v3, $0x3  }
0xc8: {  	v3 =	vand.u32 $0x7, v3;
	v4 =	vand.u32 $0xFFFFFFC0, v4  }
0xc9: {  	v3 =	vor.u32 v3, v4  }
0xca: {  	v4 =	vperm.xlane v3, v0;
	_ =	sdelay $0x1  }
0xcb: {  	v4 =	vadd.s32 v1, v4;
	_ =	sdelay $0x4  }
0xcc: {  	[tilespmem:s16], [sflag:$0x1] =	stream.indirect_vreg.gather [hbm4b:s3+s26], $0x80, v4, vm0, $0xb8;
	[tilespmem:$0x10100] =	vst v63  }
0xcd: {  	s31 =	simm.s32 $0x900;
	v3 =	vperm.xlane v3, v2  }
0xce: {  	[tilespmem:s31], [sflag:$0x1] =	stream.indirect_vreg.gather [hbm4b:s6+s26], $0x80, v4, vm0, $0xb8;
	[tilespmem:$0x10100] =	vst v63  }
0xcf: {  	s1 =	simm.s32 $0x1100;
	v3 =	vadd.s32 v1, v3  }
0xd0: {  	[tilespmem:s1], [sflag:$0x1] =	stream.indirect_vreg.gather [hbm4b:s7+s26], $0x80, v4, vm0, $0xb8;
	[tilespmem:$0x10100] =	vst v63  }
0xd1: {  	s30 =	simm.s32 $0x1900  }
0xd2: {  	[tilespmem:s30], [sflag:$0x1] =	stream.indirect_vreg.gather [hbm4b:s8+s26], $0x80, v4, vm0, $0xb8;
	[tilespmem:$0x10100] =	vst v63  }
0xd3: {  	s31 =	simm.s32 $0x2100  }
0xd4: {  	[tilespmem:s31], [sflag:$0x1] =	stream.indirect_vreg.gather [hbm4b:s3+s26], $0x80, v3, vm0, $0xb8;
	[tilespmem:$0x10100] =	vst v63  }
0xd5: {  	s1 =	simm.s32 $0x2900  }
0xd6: {  	[tilespmem:s1], [sflag:$0x1] =	stream.indirect_vreg.gather [hbm4b:s6+s26], $0x80, v3, vm0, $0xb8;
	[tilespmem:$0x10100] =	vst v63  }
0xd7: {  	s30 =	simm.s32 $0x3100  }
0xd8: {  	[tilespmem:s30], [sflag:$0x1] =	stream.indirect_vreg.gather [hbm4b:s7+s26], $0x80, v3, vm0, $0xb8;
	[tilespmem:$0x10100] =	vst v63  }
0xd9: {  	s31 =	simm.s32 $0x3900  }
0xda: {  	[tilespmem:s31], [sflag:$0x1] =	stream.indirect_vreg.gather [hbm4b:s8+s26], $0x80, v3, vm0, $0xb8;
	[tilespmem:$0x10100] =	vst v63  }
0xdb: {  	v3 =	vld [tilespmem:$0x10];
	_ =	sdelay $0x4  }
0xdc: {  	v61 =	vshll.u32 v3, $0x3  }
0xdd: {  	v3 =	vand.u32 $0x7, v3;
	v4 =	vand.u32 $0xFFFFFFC0, v61  }
0xde: {  	v3 =	vor.u32 v3, v4  }
0xdf: {  	v4 =	vperm.xlane v3, v0;
	_ =	sdelay $0x1  }
0xe0: {  	v4 =	vadd.s32 v1, v4;
	_ =	sdelay $0x3  }
0xe1: {  	s1 =	simm.s32 $0x4100  }
0xe2: {  	[tilespmem:s1], [sflag:$0x1] =	stream.indirect_vreg.gather [hbm4b:s3+s26], $0x80, v4, vm0, $0xb8;
	[tilespmem:$0x10100] =	vst v63  }
0xe3: {  	s30 =	simm.s32 $0x4900;
	v3 =	vperm.xlane v3, v2  }
0xe4: {  	[tilespmem:s30], [sflag:$0x1] =	stream.indirect_vreg.gather [hbm4b:s6+s26], $0x80, v4, vm0, $0xb8;
	[tilespmem:$0x10100] =	vst v63  }
0xe5: {  	s31 =	simm.s32 $0x5100;
	v3 =	vadd.s32 v1, v3  }
0xe6: {  	[tilespmem:s31], [sflag:$0x1] =	stream.indirect_vreg.gather [hbm4b:s7+s26], $0x80, v4, vm0, $0xb8;
	[tilespmem:$0x10100] =	vst v63  }
0xe7: {  	s1 =	simm.s32 $0x5900  }
0xe8: {  	[tilespmem:s1], [sflag:$0x1] =	stream.indirect_vreg.gather [hbm4b:s8+s26], $0x80, v4, vm0, $0xb8;
	[tilespmem:$0x10100] =	vst v63  }
0xe9: {  	s30 =	simm.s32 $0x6100  }
0xea: {  	[tilespmem:s30], [sflag:$0x1] =	stream.indirect_vreg.gather [hbm4b:s3+s26], $0x80, v3, vm0, $0xb8;
	[tilespmem:$0x10100] =	vst v63  }
0xeb: {  	s31 =	simm.s32 $0x6900  }
0xec: {  	[tilespmem:s31], [sflag:$0x1] =	stream.indirect_vreg.gather [hbm4b:s6+s26], $0x80, v3, vm0, $0xb8;
	[tilespmem:$0x10100] =	vst v63  }
0xed: {  	s1 =	simm.s32 $0x7100  }
0xee: {  	[tilespmem:s1], [sflag:$0x1] =	stream.indirect_vreg.gather [hbm4b:s7+s26], $0x80, v3, vm0, $0xb8;
	[tilespmem:$0x10100] =	vst v63  }
0xef: {  	s30 =	simm.s32 $0x7900  }
0xf0: {  	[tilespmem:s30], [sflag:$0x1] =	stream.indirect_vreg.gather [hbm4b:s8+s26], $0x80, v3, vm0, $0xb8;
	[tilespmem:$0x10100] =	vst v63  }
0xf1: {  	v3 =	vld [tilespmem:$0x80];
	_ =	sdelay $0x4  }
0xf2: {  	v62 =	vshll.u32 v3, $0x3  }
0xf3: {  	v3 =	vand.u32 $0x7, v3;
	v4 =	vand.u32 $0xFFFFFFC0, v62  }
0xf4: {  	v3 =	vor.u32 v3, v4  }
0xf5: {  	v4 =	vperm.xlane v3, v0;
	_ =	sdelay $0x1  }
0xf6: {  	v4 =	vadd.s32 v1, v4;
	_ =	sdelay $0x3  }
0xf7: {  	s31 =	simm.s32 $0x8100  }
0xf8: {  	[tilespmem:s31], [sflag:$0x1] =	stream.indirect_vreg.gather [hbm4b:s3+s26], $0x80, v4, vm0, $0xb8;
	[tilespmem:$0x10100] =	vst v63  }
0xf9: {  	v3 =	vperm.xlane v3, v2  }
0xfa: {  	[tilespmem:s4], [sflag:$0x1] =	stream.indirect_vreg.gather [hbm4b:s6+s26], $0x80, v4, vm0, $0xb8;
	[tilespmem:$0x10100] =	vst v63  }
0xfb: {  	v3 =	vadd.s32 v1, v3  }
0xfc: {  	[tilespmem:s5], [sflag:$0x1] =	stream.indirect_vreg.gather [hbm4b:s7+s26], $0x80, v4, vm0, $0xb8;
	[tilespmem:$0x10100] =	vst v63  }
0xfd: {  	_ = 	snop  }
0xfe: {  	[tilespmem:s15], [sflag:$0x1] =	stream.indirect_vreg.gather [hbm4b:s8+s26], $0x80, v4, vm0, $0xb8;
	[tilespmem:$0x10100] =	vst v63  }
0xff: {  	_ = 	snop  }
0x100: {  	[tilespmem:s9], [sflag:$0x1] =	stream.indirect_vreg.gather [hbm4b:s3+s26], $0x80, v3, vm0, $0xb8;
	[tilespmem:$0x10100] =	vst v63  }
0x101: {  	_ = 	snop  }
0x102: {  	[tilespmem:s17], [sflag:$0x1] =	stream.indirect_vreg.gather [hbm4b:s6+s26], $0x80, v3, vm0, $0xb8;
	[tilespmem:$0x10100] =	vst v63  }
0x103: {  	_ = 	snop  }
0x104: {  	[tilespmem:s10], [sflag:$0x1] =	stream.indirect_vreg.gather [hbm4b:s7+s26], $0x80, v3, vm0, $0xb8;
	[tilespmem:$0x10100] =	vst v63  }
0x105: {  	_ = 	snop  }
0x106: {  	[tilespmem:s18], [sflag:$0x1] =	stream.indirect_vreg.gather [hbm4b:s8+s26], $0x80, v3, vm0, $0xb8;
	[tilespmem:$0x10100] =	vst v63  }
0x107: {  	v3 =	vld [tilespmem:$0x90];
	_ =	sdelay $0x4  }
0x108: {  	v63 =	vshll.u32 v3, $0x3  }
0x109: {  	v3 =	vand.u32 $0x7, v3;
	v4 =	vand.u32 $0xFFFFFFC0, v63  }
0x10a: {  	v3 =	vor.u32 v3, v4  }
0x10b: {  	v4 =	vperm.xlane v3, v0;
	_ =	sdelay $0x1  }
0x10c: {  	v4 =	vadd.s32 v1, v4;
	_ =	sdelay $0x4  }
0x10d: {  	[tilespmem:s19], [sflag:$0x1] =	stream.indirect_vreg.gather [hbm4b:s3+s26], $0x80, v4, vm0, $0xb8;
	[tilespmem:$0x10100] =	vst v63  }
0x10e: {  	v3 =	vperm.xlane v3, v2  }
0x10f: {  	[tilespmem:s11], [sflag:$0x1] =	stream.indirect_vreg.gather [hbm4b:s6+s26], $0x80, v4, vm0, $0xb8;
	[tilespmem:$0x10100] =	vst v63  }
0x110: {  	v3 =	vadd.s32 v1, v3  }
0x111: {  	[tilespmem:s20], [sflag:$0x1] =	stream.indirect_vreg.gather [hbm4b:s7+s26], $0x80, v4, vm0, $0xb8;
	[tilespmem:$0x10100] =	vst v63  }
0x112: {  	_ = 	snop  }
0x113: {  	[tilespmem:s12], [sflag:$0x1] =	stream.indirect_vreg.gather [hbm4b:s8+s26], $0x80, v4, vm0, $0xb8;
	[tilespmem:$0x10100] =	vst v63  }
0x114: {  	_ = 	snop  }
0x115: {  	[tilespmem:s21], [sflag:$0x1] =	stream.indirect_vreg.gather [hbm4b:s3+s26], $0x80, v3, vm0, $0xb8;
	[tilespmem:$0x10100] =	vst v63  }
0x116: {  	_ = 	snop  }
0x117: {  	[tilespmem:s13], [sflag:$0x1] =	stream.indirect_vreg.gather [hbm4b:s6+s26], $0x80, v3, vm0, $0xb8;
	[tilespmem:$0x10100] =	vst v63  }
0x118: {  	_ = 	snop  }
0x119: {  	[tilespmem:s22], [sflag:$0x1] =	stream.indirect_vreg.gather [hbm4b:s7+s26], $0x80, v3, vm0, $0xb8;
	[tilespmem:$0x10100] =	vst v63  }
0x11a: {  	_ = 	snop  }
0x11b: {  	[tilespmem:s23], [sflag:$0x1] =	stream.indirect_vreg.gather [hbm4b:s8+s26], $0x80, v3, vm0, $0xb8;
	[tilespmem:$0x10100] =	vst v63  }
0x11c: {  	_ =	swait.ge [sflag:s24], $0x8000  }
0x11d: {  	[sflag:s24] =	ssyncset.done $0x0  }
0x11e: {  	[sflag:s24] =	ssyncadd.s32 $0xFFFF8000  }
0x11f: {  	_ =	swait.ge [sflag:s24], $0x8000  }
0x120: {  	[sflag:s24] =	ssyncset.done $0x0  }
0x121: {  	s28 =	simm.s32 $0x0;
	s29 =	simm.s32 $0x0;
	[sflag:s24] =	ssyncadd.s32 $0xFFFF8000  }
.LBB2_6:
0x122: {  	s0 =	sshll.u32 s28, $0x2;
	s1 =	sand.u32 $0x7, s26  }
0x123: {  	s0 =	sand.u32 $0xFFFF8000, s0;
	s1 =	sshll.u32 s1, $0x9  }
0x124: {  	s0 =	sor.u32 s1, s0  }
0x125: {  	s0 =	sshrl.u32 s0, $0x2  }
0x126: {  	s30 =	sadd.s32 $0x140, s0  }
0x127: {  	s31 =	sadd.s32 $0x8140, s0;
	v3 =	vld [tilespmem:s30+$0xFFFFFFC0]  }
0x128: {  	v4 =	vld [tilespmem:s31+$0xFFFFFFC0];
	_ =	sdelay $0x4  }
0x129: {  	v3 =	vadd.f32 v4, v3;
	_ =	sdelay $0x1  }
0x12a: {  	[tilespmem:s30+$0xFFFFFFC0] =	vst v3;
	v3 =	vld [tilespmem:s30+$0xFFFFFFD0]  }
0x12b: {  	v4 =	vld [tilespmem:s31+$0xFFFFFFD0];
	_ =	sdelay $0x4  }
0x12c: {  	v3 =	vadd.f32 v4, v3;
	_ =	sdelay $0x1  }
0x12d: {  	[tilespmem:s30+$0xFFFFFFD0] =	vst v3;
	v3 =	vld [tilespmem:s30+$0xFFFFFFE0]  }
0x12e: {  	v4 =	vld [tilespmem:s31+$0xFFFFFFE0];
	_ =	sdelay $0x4  }
0x12f: {  	v3 =	vadd.f32 v4, v3;
	_ =	sdelay $0x1  }
0x130: {  	[tilespmem:s30+$0xFFFFFFE0] =	vst v3;
	v3 =	vld [tilespmem:s30+$0xFFFFFFF0]  }
0x131: {  	v4 =	vld [tilespmem:s31+$0xFFFFFFF0];
	_ =	sdelay $0x4  }
0x132: {  	v3 =	vadd.f32 v4, v3;
	_ =	sdelay $0x1  }
0x133: {  	[tilespmem:s30+$0xFFFFFFF0] =	vst v3;
	v3 =	vld [tilespmem:s30+$0x0]  }
0x134: {  	v4 =	vld [tilespmem:s31+$0x0];
	_ =	sdelay $0x4  }
0x135: {  	v3 =	vadd.f32 v4, v3;
	_ =	sdelay $0x1  }
0x136: {  	[tilespmem:s30+$0x0] =	vst v3;
	v3 =	vld [tilespmem:s30+$0x10]  }
0x137: {  	v4 =	vld [tilespmem:s31+$0x10];
	_ =	sdelay $0x4  }
0x138: {  	v3 =	vadd.f32 v4, v3;
	_ =	sdelay $0x1  }
0x139: {  	[tilespmem:s30+$0x10] =	vst v3;
	v3 =	vld [tilespmem:s30+$0x20]  }
0x13a: {  	v4 =	vld [tilespmem:s31+$0x20];
	_ =	sdelay $0x4  }
0x13b: {  	v3 =	vadd.f32 v4, v3;
	_ =	sdelay $0x1  }
0x13c: {  	[tilespmem:s30+$0x20] =	vst v3;
	v3 =	vld [tilespmem:s30+$0x30]  }
0x13d: {  	v4 =	vld [tilespmem:s31+$0x30];
	_ =	sdelay $0x4  }
0x13e: {  	v3 =	vadd.f32 v4, v3  }
0x13f: {  	s0 =	simm.s32 $0x0;
	s1 =	sadd.s32 $0x400, s30  }
.LBB2_7:
0x140: {  	v4 =	vld [tilespmem:s1+$0xFFFFFFC0];
	[tilespmem:s30+$0x30] =	vst v3;
	s31 =	sadd.s32 $0x400, s31;
	s30 =	smov.u32 s1  }
0x141: {  	s0 =	sadd.s32 $0x8, s0;
	v3 =	vld [tilespmem:s31+$0xFFFFFFC0]  }
0x142: {  	p0 =	slt.u32 s0, $0x38;
	_ =	sdelay $0x3  }
0x143: {  	v3 =	vadd.f32 v3, v4;
	_ =	sdelay $0x1  }
0x144: {  	[tilespmem:s1+$0xFFFFFFC0] =	vst v3;
	v3 =	vld [tilespmem:s1+$0xFFFFFFD0]  }
0x145: {  	v4 =	vld [tilespmem:s31+$0xFFFFFFD0];
	_ =	sdelay $0x4  }
0x146: {  	v3 =	vadd.f32 v4, v3;
	_ =	sdelay $0x1  }
0x147: {  	[tilespmem:s1+$0xFFFFFFD0] =	vst v3;
	v3 =	vld [tilespmem:s1+$0xFFFFFFE0]  }
0x148: {  	v4 =	vld [tilespmem:s31+$0xFFFFFFE0];
	_ =	sdelay $0x4  }
0x149: {  	v3 =	vadd.f32 v4, v3;
	_ =	sdelay $0x1  }
0x14a: {  	[tilespmem:s1+$0xFFFFFFE0] =	vst v3;
	v3 =	vld [tilespmem:s1+$0xFFFFFFF0]  }
0x14b: {  	v4 =	vld [tilespmem:s31+$0xFFFFFFF0];
	_ =	sdelay $0x4  }
0x14c: {  	v3 =	vadd.f32 v4, v3;
	_ =	sdelay $0x1  }
0x14d: {  	[tilespmem:s1+$0xFFFFFFF0] =	vst v3;
	v3 =	vld [tilespmem:s1+$0x0]  }
0x14e: {  	v4 =	vld [tilespmem:s31+$0x0];
	_ =	sdelay $0x4  }
0x14f: {  	v3 =	vadd.f32 v4, v3;
	_ =	sdelay $0x1  }
0x150: {  	[tilespmem:s1+$0x0] =	vst v3;
	v3 =	vld [tilespmem:s1+$0x10]  }
0x151: {  	v4 =	vld [tilespmem:s31+$0x10];
	_ =	sdelay $0x4  }
0x152: {  	v3 =	vadd.f32 v4, v3;
	_ =	sdelay $0x1  }
0x153: {  	[tilespmem:s1+$0x10] =	vst v3;
	v3 =	vld [tilespmem:s1+$0x20]  }
0x154: {  	v4 =	vld [tilespmem:s31+$0x20];
	_ =	sdelay $0x4  }
0x155: {  	v3 =	vadd.f32 v4, v3;
	_ =	sdelay $0x1  }
0x156: {  	[tilespmem:s1+$0x20] =	vst v3;
	v3 =	vld [tilespmem:s1+$0x30]  }
0x157: {  	v4 =	vld [tilespmem:s31+$0x30];
	_ =	sdelay $0x1  }
.Ltmp2:
0x158: {  	(pc) =	sbr.rel @p0 .LBB2_7-.Ltmp2, $3  }
0x159: {  	_ =	sdelay $0x1  }
0x15a: {  	v3 =	vadd.f32 v4, v3  }
0x15b: {  	s1 =	sadd.s32 $0x400, s1  }
0x15c: {  	s29 =	sadd.s32 $0x1, s29  }
0x15d: {  	p0 =	sne.s32 s29, $0x20  }
.Ltmp3:
0x15e: {  	_ = 	snop;
	(pc) =	sbr.rel @p0 .LBB2_6-.Ltmp3, $2  }
0x15f: {  	_ =	sdelay $0x2  }
0x160: {  	[tilespmem:s30+$0x30] =	vst v3;
	s28 =	sadd.s32 $0x400, s28;
	s26 =	sadd.s32 $0x1, s26  }
0x161: {  	s0 =	rddreg [dreg:$0x8]  }
0x162: {  	[hbm4b:s0+s2] =	stream.linear.scatter [tilespmem:s16], [sflag:$0x2], $0x8000, $0x38;
	[tilespmem:$0x10100] =	vst v63  }
0x163: {  	_ =	swait.ge [sflag:s14], $0x8000  }
0x164: {  	s25 =	sadd.s32 $0x1, s25;
	s31 =	rddreg [dreg:$0x9]  }
0x165: {  	p0 =	sne.s32 s25, s31  }
.Ltmp4:
0x166: {  	_ = 	snop;
	(pc) =	sbr.rel @p0 .LBB2_1-.Ltmp4, $3  }
0x167: {  	_ =	sdelay $0x1  }
0x168: {  	[sflag:s14] =	ssyncset.done $0x0  }
0x169: {  	[sflag:s14] =	ssyncadd.s32 $0xFFFF8000  }
0x16a: {  	_ =	sfence.sel $0x180000  }
0x16b: {  	[bflag:$0x0] =	sbarrier.arrive $0xFFFF  }
0x16c: {  	_ =	strace $0x9000004A  }
0x16d: {  	s0 =	stileid.u32;
	[bflag:$0x2] =	sbarrier.arrive $0xFFFF  }
0x16e: {  	p0 =	sne.s32 s0, $0x0;
	s0 =	rddreg [dreg:$0x2]  }
0x16f: {  	s0 =	sadd.s32 @!p0 $0x100000, s0  }
0x170: {  	[sflag:s0] =	ssyncadd.tile.s32 @!p0 $0x1;
	_ =	shalt  }
.Lfunc_end2:
_tile_overlayer_lowered:
.L_overlay_start_2:
0x171: {  	(tag) =	ssettag $0x2  }
0x172: {  	s0 =	rddreg [dreg:$0x0];
	s2 =	stileid.u32  }
0x173: {  	s1 =	rddreg [dreg:$0x1];
	p0 =	sne.s32 s2, $0x0  }
0x174: {  	s3 =	rddreg [dreg:$0x2];
	[bflag:$0x3] =	sbarrier.arrive $0xFFFF;
	s2 =	simm.s32 @!p0 $0x1C02  }
0x175: {  	[timem:s3], [sflag:s2] =	dma.local @!p0 [hbm:s0], s1  }
0x176: {  	s0 =	simm.s32 @!p0 $0x2  }
0x177: {  	_ =	swait.ge @!p0 [sflag:s0], s1  }
0x178: {  	s1 =	ssub.s32 @!p0 $0x0, s1;
	[sflag:s0] =	ssyncset.done @!p0 $0x0  }
0x179: {  	[sflag:s0] =	ssyncadd.s32 @!p0 s1  }
0x17a: {  	[bflag:$0x3] =	sbarrier.arrive $0xFFFF  }
0x17b: {  	_ =	shalt  }

// kernel: kernel.7.cloned.1.call-start
scs
__scs_entry_jumppad:
0x0: {  	(pc) =	sbr.rel $0x88, $3  }
0x1: {  	(tag) =	ssettag $0x0;
	lr =	simm.s32 $0x1  }
0x2: {  	[smem:$0x3F99] =	sst lr;
	_ =	strace $0xD0000000  }
0x3: {  	_ = 	snop  }
0x4: {  	_ = 	snop  }
0x5: {  	_ = 	snop  }
0x6: {  	_ = 	snop  }
0x7: {  	_ = 	snop  }
__scs_overlays_trampoline_lowered:
0x8: {  	[smem:$0x3FA8] =	sst s0  }
0x9: {  	[smem:$0x3FA9] =	sst s1  }
0xa: {  	[smem:$0x3FAA] =	sst s2  }
0xb: {  	[smem:$0x3FAB] =	sst s3  }
0xc: {  	[smem:$0x3FAC] =	sst s4  }
0xd: {  	[smem:$0x3FAD] =	sst s5  }
0xe: {  	[smem:$0x3FAE] =	sst s6  }
0xf: {  	[smem:$0x3FAF] =	sst s7  }
0x10: {  	[smem:$0x3FB0] =	sst s8  }
0x11: {  	[smem:$0x3FB1] =	sst s9;
	s0 =	simm.s32 @!p0 $0x0  }
0x12: {  	s1 =	sld [smem:$0x3F97];
	s0 =	simm.s32 @p0 $0x1  }
0x13: {  	[smem:$0x3FB2] =	sst s0;
	s0 =	simm.s32 @!p1 $0x0  }
0x14: {  	s2 =	sld [smem:$0x3F96];
	s0 =	simm.s32 @p1 $0x1  }
0x15: {  	[smem:$0x3FB3] =	sst s0;
	s0 =	simm.s32 @!p2 $0x0  }
0x16: {  	s3 =	sld [smem:$0x3FDB];
	s0 =	simm.s32 @p2 $0x1  }
0x17: {  	s4 =	simm.s32 $0x1BF5;
	[smem:$0x3FB5] =	sst s0  }
0x18: {  	s0 =	sld [smem:$0x3F98];
	_ =	swait.ge [sflag:s4], $0x0  }
0x19: {  	s7 =	sld [smem:$0x3F99]  }
0x1a: {  	s8 =	sadd.s32 $0xFFFFE003, lr  }
0x1b: {  	s9 =	sadd.s32 $0xFFFFFEF7, lr;
	s5 =	simm.s32 $0xFFFFFFFF;
	p2 =	slt.u32 s8, $0xFFFFF086  }
0x1c: {  	p1 =	slt.u32 s9, $0xF7A;
	s5 =	simm.s32 @!p2 $0x0  }
0x1d: {  	s5 =	simm.s32 @p1 $0x1;
	p0 =	seq.s32 s7, s2  }
0x1e: {  	s7 =	smul.u32 @!p0 $0xF7A, s2;
	p2 =	seq.s32 @!p0 s5, $0x0  }
0x1f: {  	s9 =	smul.u32 $0xF7A, s1;
	s8 =	simm.s32 @!p0 $0x1BF5;
	p2 =	por !p2, p0  }
0x20: {  	[sflag:s8] =	ssyncset.s32 @!p0 $0xFFFFF086;
	s6 =	sadd.s32 @!p0 s3, s7;
	s7 =	simm.s32 @!p0 $0x108  }
0x21: {  	s3 =	sadd.s32 s3, s9;
	s6 =	sadd.s32 @!p0 $0x88, s6;
	s7 =	simm.s32 @p2 $0x1082  }
0x22: {  	[simem:s7], [sflag:s8] =	dma.local @!p0 [hbm:s6], $0xF7A  }
0x23: {  	s9 =	sor.u32 $0xD0000000, s2;
	s6 =	simm.s32 $0x108;
	_ =	swait.ge @!p0 [sflag:s8], $0x0  }
0x24: {  	s3 =	sadd.s32 $0x88, s3;
	s6 =	simm.s32 @!p1 $0x1082;
	[sflag:s4] =	ssyncset.s32 $0xFFFFF086  }
0x25: {  	[simem:s6], [sflag:s4] =	dma.local [hbm:s3], $0xF7A  }
0x26: {  	[smem:$0x3F99] =	sst s1;
	(tag) =	ssettag s2;
	_ =	strace s9  }
0x27: {  	s1 =	sld [smem:$0x3FA9]  }
0x28: {  	s2 =	sld [smem:$0x3FAA]  }
0x29: {  	s4 =	sld [smem:$0x3FAC]  }
0x2a: {  	p0 =	seq.s32 s5, $0x0;
	s5 =	sld [smem:$0x3FAD]  }
0x2b: {  	s6 =	sld [smem:$0x3FAE]  }
0x2c: {  	s7 =	sld [smem:$0x3FAF]  }
0x2d: {  	s3 =	simm.s32 $0x108;
	s8 =	sld [smem:$0x3FB0]  }
0x2e: {  	s3 =	simm.s32 @!p0 $0x1082;
	s9 =	sld [smem:$0x3FB1]  }
0x2f: {  	lr =	sadd.s32 s0, s3;
	s0 =	sld [smem:$0x3FA8]  }
0x30: {  	s3 =	sld [smem:$0x3FAB]  }
0x31: {  	[smem:$0x3FB4] =	sst s10  }
0x32: {  	s10 =	sld [smem:$0x3FB2];
	_ =	sdelay $0x3  }
0x33: {  	p0 =	seq.s32 s10, $0x1;
	s10 =	sld [smem:$0x3FB4];
	_ =	sdelay $0x3  }
0x34: {  	[smem:$0x3FB4] =	sst s10  }
0x35: {  	s10 =	sld [smem:$0x3FB3];
	_ =	sdelay $0x3  }
0x36: {  	p1 =	seq.s32 s10, $0x1;
	s10 =	sld [smem:$0x3FB4];
	_ =	sdelay $0x3  }
0x37: {  	[smem:$0x3FB4] =	sst s10  }
0x38: {  	s10 =	sld [smem:$0x3FB5]  }
0x39: {  	_ = 	snop;
	(pc) =	sbr.ind lr, $3  }
0x3a: {  	_ = 	snop  }
0x3b: {  	_ = 	snop  }
0x3c: {  	p2 =	seq.s32 s10, $0x1;
	s10 =	sld [smem:$0x3FB4]  }
0x3d: {  	_ =	shalt  }
0x3e: {  	_ =	shalt  }
0x3f: {  	_ =	shalt  }
0x40: {  	_ =	shalt  }
0x41: {  	_ =	shalt  }
0x42: {  	_ =	shalt  }
0x43: {  	_ =	shalt  }
0x44: {  	_ =	shalt  }
0x45: {  	_ =	shalt  }
0x46: {  	_ =	shalt  }
0x47: {  	_ =	shalt  }
0x48: {  	_ =	shalt  }
0x49: {  	_ =	shalt  }
0x4a: {  	_ =	shalt  }
0x4b: {  	_ =	shalt  }
0x4c: {  	_ =	shalt  }
0x4d: {  	_ =	shalt  }
0x4e: {  	_ =	shalt  }
0x4f: {  	_ =	shalt  }
0x50: {  	_ =	shalt  }
0x51: {  	_ =	shalt  }
0x52: {  	_ =	shalt  }
0x53: {  	_ =	shalt  }
0x54: {  	_ =	shalt  }
0x55: {  	_ =	shalt  }
0x56: {  	_ =	shalt  }
0x57: {  	_ =	shalt  }
0x58: {  	_ =	shalt  }
0x59: {  	_ =	shalt  }
0x5a: {  	_ =	shalt  }
0x5b: {  	_ =	shalt  }
0x5c: {  	_ =	shalt  }
0x5d: {  	_ =	shalt  }
0x5e: {  	_ =	shalt  }
0x5f: {  	_ =	shalt  }
0x60: {  	_ =	shalt  }
0x61: {  	_ =	shalt  }
0x62: {  	_ =	shalt  }
0x63: {  	_ =	shalt  }
0x64: {  	_ =	shalt  }
0x65: {  	_ =	shalt  }
0x66: {  	_ =	shalt  }
0x67: {  	_ =	shalt  }
0x68: {  	_ =	shalt  }
0x69: {  	_ =	shalt  }
0x6a: {  	_ =	shalt  }
0x6b: {  	_ =	shalt  }
0x6c: {  	_ =	shalt  }
0x6d: {  	_ =	shalt  }
0x6e: {  	_ =	shalt  }
0x6f: {  	_ =	shalt  }
0x70: {  	_ =	shalt  }
0x71: {  	_ =	shalt  }
0x72: {  	_ =	shalt  }
0x73: {  	_ =	shalt  }
0x74: {  	_ =	shalt  }
0x75: {  	_ =	shalt  }
0x76: {  	_ =	shalt  }
0x77: {  	_ =	shalt  }
0x78: {  	_ =	shalt  }
0x79: {  	_ =	shalt  }
0x7a: {  	_ =	shalt  }
0x7b: {  	_ =	shalt  }
0x7c: {  	_ =	shalt  }
0x7d: {  	_ =	shalt  }
0x7e: {  	_ =	shalt  }
0x7f: {  	_ =	shalt  }
0x80: {  	_ =	shalt  }
0x81: {  	_ =	shalt  }
0x82: {  	_ =	shalt  }
0x83: {  	_ =	shalt  }
0x84: {  	_ =	shalt  }
0x85: {  	_ =	shalt  }
0x86: {  	_ =	shalt  }
0x87: {  	_ =	shalt  }
.Lfunc_end0:
.L_simem_size_0:
called_computation_lowered:
.L_overlay_start_0:
0x88: {  	s2 =	sld [smem:$0x3FD9]  }
0x89: {  	s3 =	sld [smem:$0x3FFE];
	_ =	sdelay $0x1  }
0x8a: {  	s1 =	srdreg.scid  }
0x8b: {  	s0 =	sand.u32 $0x1, s1  }
0x8c: {  	s14 =	sshll.u32 s0, $0xA;
	s2 =	sadd.s32 s3, s2  }
0x8d: {  	s2 =	sadd.s32 s2, s14  }
0x8e: {  	[smem:$0x3FC0] =	sst s2  }
0x8f: {  	_ = 	snop  }
0x90: {  	s2 =	sld [smem:$0x3FD0];
	_ =	sdelay $0x2  }
0x91: {  	s4 =	simm.s32 $0xA;
	s5 =	simm.s32 $0x10;
	s15 =	sld [smem:$0x3FC9]  }
0x92: {  	[smem:s5], [sflag:s4] =	dma.local [hbm:s2], $0x1  }
0x93: {  	_ =	swait.eq [sflag:s4], $0x1  }
0x94: {  	[sflag:s4] =	ssyncset.done $0x0  }
0x95: {  	[sflag:s4] =	ssyncadd.s32 $0xFFFFFFFF  }
0x96: {  	s16 =	sld [smem:$0x10];
	(tm) =	ssettm $0x1  }
0x97: {  	s17 =	sld [smem:$0x3FFB];
	_ =	sdelay $0x3  }
0x98: {  	_ =	strace s17  }
0x99: {  	s4 =	sld [smem:$0x3FFC];
	_ =	sdelay $0x3  }
0x9a: {  	_ =	strace s4  }
0x9b: {  	s4 =	sld [smem:$0x3FFD];
	_ =	sdelay $0x3  }
0x9c: {  	_ =	strace s4  }
0x9d: {  	_ =	strace $0x8FFFFFFF  }
0x9e: {  	s18 =	sld [smem:$0x3FDB];
	_ =	sdelay $0x1  }
0x9f: {  	s19 =	simm.s32 $_scs_section_size  }
0xa0: {  	s6 =	simm.s32 $_size__tile_overlayer_lowered;
	s7 =	simm.s32 $_tile_overlayer_lowered  }
0xa1: {  	s22 =	simm.s32 $0x1BFF;
	s21 =	sshll.u32 s7, $0x1;
	s4 =	sadd.s32 s19, s18  }
0xa2: {  	s8 =	simm.s32 $0x0;
	s20 =	sshll.u32 s6, $0x1;
	s6 =	sadd.s32 s21, s4  }
0xa3: {  	[timem:s8], [sflag:s22] =	dma.local [hbm:s6], s20  }
0xa4: {  	_ =	swait.ge [sflag:s22], s20  }
0xa5: {  	s5 =	ssub.s32 $0x0, s20;
	[sflag:s22] =	ssyncset.done $0x0  }
0xa6: {  	[sflag:s22] =	ssyncadd.s32 s5;
	_ =	sdelay $0x1  }
0xa7: {  	s23 =	simm.s32 $0x1B8B  }
0xa8: {  	_ =	swait.ge [sflag:s23], $0x1  }
0xa9: {  	[sflag:s23] =	ssyncset.done $0x0  }
0xaa: {  	s25 =	simm.s32 $0x1B8E;
	s24 =	sld [smem:$0x3FFE];
	[sflag:s23] =	ssyncadd.s32 $0xFFFFFFFF  }
0xab: {  	s26 =	simm.s32 $execute0_lowered;
	[smem:$0x3FD2] =	sst s25  }
0xac: {  	s6 =	sshll.u32 s26, $0x1;
	_ =	strace $0x80000046;
	[dreg:$0x1] =	wrdreg $0xFFFFFFFF  }
0xad: {  	s28 =	simm.s32 $_size_execute0_lowered;
	s4 =	sadd.s32 s4, s6;
	[dreg:$0x0] =	wrdreg $0x0  }
0xae: {  	s6 =	sshll.u32 s28, $0x1;
	[dreg:$0x2] =	wrdreg s4  }
0xaf: {  	[dreg:$0x3] =	wrdreg s6  }
0xb0: {  	[dreg:$0x4] =	wrdreg $0xC0  }
0xb1: {  	_ =	task [dreg:s8], $0x5FFFF  }
0xb2: {  	[dreg:$0x1] =	wrdreg $0xFFFFFFFF  }
0xb3: {  	[dreg:$0x0] =	wrdreg $0x60  }
0xb4: {  	[dreg:$0x2] =	wrdreg s15  }
0xb5: {  	[dreg:$0x3] =	wrdreg s24  }
0xb6: {  	[dreg:$0x4] =	wrdreg s16  }
0xb7: {  	[dreg:$0x5] =	wrdreg $0x9  }
0xb8: {  	_ =	task.clear_ibuf [dreg:s8], $0x6FFFF;
	_ =	strace $0x90000046  }
0xb9: {  	s29 =	simm.s32 $0x9;
	_ =	strace $0x80000048  }
0xba: {  	_ =	swait.ge [sflag:s29], $0x1  }
0xbb: {  	[sflag:s29] =	ssyncadd.s32 $0xFFFFFFFF  }
0xbc: {  	_ =	strace $0x90000048  }
0xbd: {  	_ =	sfence  }
0xbe: {  	s30 =	sld [smem:$0x0];
	_ =	sdelay $0x2  }
0xbf: {  	s31 =	sshll.u32 s1, $0xD;
	s1 =	sshrl.u32 s1, $0x2  }
0xc0: {  	s3 =	sand.u32 $0x4000, s31;
	s1 =	sadd.s32 s1, s30  }
0xc1: {  	s0 =	sor.u32 s3, s0;
	s1 =	sshll.u32 s1, $0x11  }
0xc2: {  	s0 =	sor.u32 s1, s0  }
0xc3: {  	s0 =	sadd.s32 $0x8F2B, s0  }
0xc4: {  	[sflag:s0] =	ssyncadd.remote.s32 $0x1  }
0xc5: {  	_ =	sfence.sel $0xFFFF  }
0xc6: {  	[dreg:$0x0] =	wrdreg $0xFFFFFFFF;
	(pc) =	sbr.abs _section_cstart, $3  }
0xc7: {  	[dreg:$0x1] =	wrdreg $0xFFFFFFFF  }
0xc8: {  	_ =	task.clear_ibuf [dreg:s8], $0x2FFFF;
	_ =	strace $0x9FFFFFFF  }
0xc9: {  	(tm) =	ssettm $0x7FFFFFFF  }
tec
execute0_lowered:
.L_overlay_start_1:
0x0: {  	(tag) =	ssettag $0x1  }
0x1: {  	s0 =	srdreg.scid;
	s1 =	rddreg [dreg:$0x0]  }
0x2: {  	s3 =	stileid.u32;
	s2 =	rddreg [dreg:$0x1]  }
0x3: {  	s9 =	simm.s32 $0x2;
	s23 =	simm.s32 $0x1;
	s29 =	simm.s32 $0x1100  }
0x4: {  	s30 =	simm.s32 $0x1900;
	s31 =	simm.s32 $0x2100;
	s10 =	simm.s32 $0x4100  }
0x5: {  	s12 =	simm.s32 $0x4900;
	s13 =	simm.s32 $0x5100;
	s14 =	simm.s32 $0x5900  }
0x6: {  	s15 =	simm.s32 $0x6100;
	s16 =	simm.s32 $0x6900;
	s17 =	simm.s32 $0x7100  }
0x7: {  	s18 =	simm.s32 $0x7900;
	s19 =	simm.s32 $0x8100;
	s20 =	simm.s32 $0x8900  }
0x8: {  	s21 =	simm.s32 $0x9100;
	s22 =	simm.s32 $0x9900;
	s0 =	sand.u32 $0x1, s0  }
0x9: {  	s11 =	simm.s32 $0xA100;
	s3 =	sshll.u32 s3, $0x7;
	s4 =	sshll.u32 s0, $0x6  }
0xa: {  	s28 =	simm.s32 $0xB100;
	s0 =	ssub.s32 $0x2, s0;
	s4 =	sor.u32 s4, s3  }
0xb: {  	s3 =	simm.s32 $0x0;
	s25 =	sshrl.u32 s0, $0x1;
	s5 =	sshrl.u32 s4, $0x3  }
0xc: {  	[smem:$0x7FF] =	sst s3;
	s6 =	sshll.u32 s4, $0x4;
	s4 =	sshll.u32 s4, $0x7  }
0xd: {  	s0 =	ssub.s32 s0, s25;
	s5 =	sadd.s32 s5, s2;
	s1 =	sadd.s32 s1, s4  }
0xe: {  	_ =	strace $0x80000047;
	s7 =	sadd.s32 $0x19000, s5;
	[dreg:$0x6] =	wrdreg s1  }
0xf: {  	s6 =	sadd.s32 s6, s2;
	s5 =	sadd.s32 $0x19200, s5;
	[dreg:$0x4] =	wrdreg s7  }
0x10: {  	s25 =	simm.s32 $0x3100;
	s24 =	sadd.s32 $0x9000, s6;
	[dreg:$0x5] =	wrdreg s5  }
0x11: {  	v2 =	vlaneseq.u32;
	s4 =	sadd.s32 $0x19400, s2;
	s26 =	sadd.s32 $0x11000, s6;
	[dreg:$0x7] =	wrdreg s24  }
0x12: {  	vm0 =	vmmov $0xffff;
	v1 =	vshrl.u32 v2, $0x3;
	s8 =	smax.u32 s0, $0x1;
	s6 =	sadd.s32 $0x19600, s2;
	[dreg:$0x8] =	wrdreg s26  }
0x13: {  	v0 =	vand.u32 $0x7, v2;
	v2 =	vor.u32 $0x8, v2;
	v1 =	vmul.u32 $0x8, v1;
	s5 =	sadd.s32 $0x19500, s2;
	s7 =	sadd.s32 $0x19700, s2;
	s26 =	simm.s32 $0xA900  }
.LBB2_1:
0x14: {  	s24 =	rddreg [dreg:$0x4]  }
0x15: {  	[tilespmem:s3], [sflag:$0x2] =	stream.linear.gather [hbm4b:s24+s3], $0x40, $0x38;
	[tilespmem:$0x14100] =	vst v63  }
0x16: {  	_ =	swait.ge [sflag:s9], $0x40  }
0x17: {  	[sflag:s9] =	ssyncset.done $0x0  }
0x18: {  	s0 =	simm.s32 $0x80;
	s2 =	rddreg [dreg:$0x5];
	[sflag:s9] =	ssyncadd.s32 $0xFFFFFFC0  }
0x19: {  	[tilespmem:s0], [sflag:$0x2] =	stream.linear.gather [hbm4b:s2+s3], $0x40, $0x38;
	[tilespmem:$0x14100] =	vst v63  }
0x1a: {  	_ =	swait.ge [sflag:s9], $0x40  }
0x1b: {  	[sflag:s9] =	ssyncset.done $0x0  }
0x1c: {  	s0 =	simm.s32 $0x100;
	s1 =	rddreg [dreg:$0x6];
	[sflag:s9] =	ssyncadd.s32 $0xFFFFFFC0  }
0x1d: {  	[tilespmem:s0], [sflag:$0x2] =	stream.linear.gather [hbm4b:s1+s3], $0x10000, $0x38;
	[tilespmem:$0x14100] =	vst v63  }
0x1e: {  	_ =	swait.ge [sflag:s9], $0x10000  }
0x1f: {  	[sflag:s9] =	ssyncset.done $0x0  }
0x20: {  	s1 =	simm.s32 $0x10100;
	s2 =	rddreg [dreg:$0x7];
	[sflag:s9] =	ssyncadd.s32 $0xFFFF0000  }
0x21: {  	[tilespmem:s1], [sflag:$0x2] =	stream.linear.gather [hbm4b:s2+s3], $0x2000, $0x38;
	[tilespmem:$0x14100] =	vst v63  }
0x22: {  	_ =	swait.ge [sflag:s9], $0x2000  }
0x23: {  	[sflag:s9] =	ssyncset.done $0x0  }
0x24: {  	s2 =	simm.s32 $0x12100;
	s1 =	rddreg [dreg:$0x8];
	[sflag:s9] =	ssyncadd.s32 $0xFFFFE000  }
0x25: {  	[tilespmem:s2], [sflag:$0x2] =	stream.linear.gather [hbm4b:s1+s3], $0x2000, $0x38;
	[tilespmem:$0x14100] =	vst v63  }
0x26: {  	_ =	swait.ge [sflag:s9], $0x2000  }
0x27: {  	[sflag:s9] =	ssyncset.done $0x0  }
0x28: {  	[sflag:s9] =	ssyncadd.s32 $0xFFFFE000  }
0x29: {  	v3 =	vld [tilespmem:$0x0];
	_ =	sdelay $0x4  }
0x2a: {  	v4 =	vshll.u32 v3, $0x3  }
0x2b: {  	v3 =	vand.u32 $0x7, v3;
	v4 =	vand.u32 $0xFFFFFFC0, v4  }
0x2c: {  	v3 =	vor.u32 v3, v4  }
0x2d: {  	v4 =	vperm.xlane v3, v0;
	_ =	sdelay $0x1  }
0x2e: {  	v4 =	vadd.s32 v1, v4;
	_ =	sdelay $0x4  }
0x2f: {  	[hbm4b:s4+s3] =	stream.indirect_vreg.scatter [tilespmem:s0], [sflag:$0x1], $0x80, v4, vm0, $0xb8;
	[tilespmem:$0x14100] =	vst v63  }
0x30: {  	s24 =	simm.s32 $0x900;
	v3 =	vperm.xlane v3, v2  }
0x31: {  	[hbm4b:s5+s3] =	stream.indirect_vreg.scatter [tilespmem:s24], [sflag:$0x1], $0x80, v4, vm0, $0xb8;
	[tilespmem:$0x14100] =	vst v63  }
0x32: {  	v3 =	vadd.s32 v1, v3  }
0x33: {  	[hbm4b:s6+s3] =	stream.indirect_vreg.scatter [tilespmem:s29], [sflag:$0x1], $0x80, v4, vm0, $0xb8;
	[tilespmem:$0x14100] =	vst v63  }
0x34: {  	_ = 	snop  }
0x35: {  	[hbm4b:s7+s3] =	stream.indirect_vreg.scatter [tilespmem:s30], [sflag:$0x1], $0x80, v4, vm0, $0xb8;
	[tilespmem:$0x14100] =	vst v63  }
0x36: {  	_ = 	snop  }
0x37: {  	[hbm4b:s4+s3] =	stream.indirect_vreg.scatter [tilespmem:s31], [sflag:$0x1], $0x80, v3, vm0, $0xb8;
	[tilespmem:$0x14100] =	vst v63  }
0x38: {  	s2 =	simm.s32 $0x2900  }
0x39: {  	[hbm4b:s5+s3] =	stream.indirect_vreg.scatter [tilespmem:s2], [sflag:$0x1], $0x80, v3, vm0, $0xb8;
	[tilespmem:$0x14100] =	vst v63  }
0x3a: {  	_ = 	snop  }
0x3b: {  	[hbm4b:s6+s3] =	stream.indirect_vreg.scatter [tilespmem:s25], [sflag:$0x1], $0x80, v3, vm0, $0xb8;
	[tilespmem:$0x14100] =	vst v63  }
0x3c: {  	s2 =	simm.s32 $0x3900  }
0x3d: {  	[hbm4b:s7+s3] =	stream.indirect_vreg.scatter [tilespmem:s2], [sflag:$0x1], $0x80, v3, vm0, $0xb8;
	[tilespmem:$0x14100] =	vst v63  }
0x3e: {  	v3 =	vld [tilespmem:$0x10];
	_ =	sdelay $0x4  }
0x3f: {  	v57 =	vshll.u32 v3, $0x3  }
0x40: {  	v3 =	vand.u32 $0x7, v3;
	v4 =	vand.u32 $0xFFFFFFC0, v57  }
0x41: {  	v3 =	vor.u32 v3, v4  }
0x42: {  	v4 =	vperm.xlane v3, v0;
	_ =	sdelay $0x1  }
0x43: {  	v4 =	vadd.s32 v1, v4;
	_ =	sdelay $0x4  }
0x44: {  	[hbm4b:s4+s3] =	stream.indirect_vreg.scatter [tilespmem:s10], [sflag:$0x1], $0x80, v4, vm0, $0xb8;
	[tilespmem:$0x14100] =	vst v63  }
0x45: {  	v3 =	vperm.xlane v3, v2  }
0x46: {  	[hbm4b:s5+s3] =	stream.indirect_vreg.scatter [tilespmem:s12], [sflag:$0x1], $0x80, v4, vm0, $0xb8;
	[tilespmem:$0x14100] =	vst v63  }
0x47: {  	v3 =	vadd.s32 v1, v3  }
0x48: {  	[hbm4b:s6+s3] =	stream.indirect_vreg.scatter [tilespmem:s13], [sflag:$0x1], $0x80, v4, vm0, $0xb8;
	[tilespmem:$0x14100] =	vst v63  }
0x49: {  	_ = 	snop  }
0x4a: {  	[hbm4b:s7+s3] =	stream.indirect_vreg.scatter [tilespmem:s14], [sflag:$0x1], $0x80, v4, vm0, $0xb8;
	[tilespmem:$0x14100] =	vst v63  }
0x4b: {  	_ = 	snop  }
0x4c: {  	[hbm4b:s4+s3] =	stream.indirect_vreg.scatter [tilespmem:s15], [sflag:$0x1], $0x80, v3, vm0, $0xb8;
	[tilespmem:$0x14100] =	vst v63  }
0x4d: {  	_ = 	snop  }
0x4e: {  	[hbm4b:s5+s3] =	stream.indirect_vreg.scatter [tilespmem:s16], [sflag:$0x1], $0x80, v3, vm0, $0xb8;
	[tilespmem:$0x14100] =	vst v63  }
0x4f: {  	_ = 	snop  }
0x50: {  	[hbm4b:s6+s3] =	stream.indirect_vreg.scatter [tilespmem:s17], [sflag:$0x1], $0x80, v3, vm0, $0xb8;
	[tilespmem:$0x14100] =	vst v63  }
0x51: {  	_ = 	snop  }
0x52: {  	[hbm4b:s7+s3] =	stream.indirect_vreg.scatter [tilespmem:s18], [sflag:$0x1], $0x80, v3, vm0, $0xb8;
	[tilespmem:$0x14100] =	vst v63  }
0x53: {  	v3 =	vld [tilespmem:$0x20];
	_ =	sdelay $0x4  }
0x54: {  	v58 =	vshll.u32 v3, $0x3  }
0x55: {  	v3 =	vand.u32 $0x7, v3;
	v4 =	vand.u32 $0xFFFFFFC0, v58  }
0x56: {  	v3 =	vor.u32 v3, v4  }
0x57: {  	v4 =	vperm.xlane v3, v0;
	_ =	sdelay $0x1  }
0x58: {  	v4 =	vadd.s32 v1, v4;
	_ =	sdelay $0x4  }
0x59: {  	[hbm4b:s4+s3] =	stream.indirect_vreg.scatter [tilespmem:s19], [sflag:$0x1], $0x80, v4, vm0, $0xb8;
	[tilespmem:$0x14100] =	vst v63  }
0x5a: {  	v3 =	vperm.xlane v3, v2  }
0x5b: {  	[hbm4b:s5+s3] =	stream.indirect_vreg.scatter [tilespmem:s20], [sflag:$0x1], $0x80, v4, vm0, $0xb8;
	[tilespmem:$0x14100] =	vst v63  }
0x5c: {  	v3 =	vadd.s32 v1, v3  }
0x5d: {  	[hbm4b:s6+s3] =	stream.indirect_vreg.scatter [tilespmem:s21], [sflag:$0x1], $0x80, v4, vm0, $0xb8;
	[tilespmem:$0x14100] =	vst v63  }
0x5e: {  	_ = 	snop  }
0x5f: {  	[hbm4b:s7+s3] =	stream.indirect_vreg.scatter [tilespmem:s22], [sflag:$0x1], $0x80, v4, vm0, $0xb8;
	[tilespmem:$0x14100] =	vst v63  }
0x60: {  	_ = 	snop  }
0x61: {  	[hbm4b:s4+s3] =	stream.indirect_vreg.scatter [tilespmem:s11], [sflag:$0x1], $0x80, v3, vm0, $0xb8;
	[tilespmem:$0x14100] =	vst v63  }
0x62: {  	_ = 	snop  }
0x63: {  	[hbm4b:s5+s3] =	stream.indirect_vreg.scatter [tilespmem:s26], [sflag:$0x1], $0x80, v3, vm0, $0xb8;
	[tilespmem:$0x14100] =	vst v63  }
0x64: {  	_ = 	snop  }
0x65: {  	[hbm4b:s6+s3] =	stream.indirect_vreg.scatter [tilespmem:s28], [sflag:$0x1], $0x80, v3, vm0, $0xb8;
	[tilespmem:$0x14100] =	vst v63  }
0x66: {  	s1 =	simm.s32 $0xB900  }
0x67: {  	[hbm4b:s7+s3] =	stream.indirect_vreg.scatter [tilespmem:s1], [sflag:$0x1], $0x80, v3, vm0, $0xb8;
	[tilespmem:$0x14100] =	vst v63  }
0x68: {  	v3 =	vld [tilespmem:$0x30];
	_ =	sdelay $0x4  }
0x69: {  	v59 =	vshll.u32 v3, $0x3  }
0x6a: {  	v3 =	vand.u32 $0x7, v3;
	v4 =	vand.u32 $0xFFFFFFC0, v59  }
0x6b: {  	v3 =	vor.u32 v3, v4  }
0x6c: {  	v4 =	vperm.xlane v3, v0;
	_ =	sdelay $0x1  }
0x6d: {  	v4 =	vadd.s32 v1, v4;
	_ =	sdelay $0x3  }
0x6e: {  	s1 =	simm.s32 $0xC100  }
0x6f: {  	[hbm4b:s4+s3] =	stream.indirect_vreg.scatter [tilespmem:s1], [sflag:$0x1], $0x80, v4, vm0, $0xb8;
	[tilespmem:$0x14100] =	vst v63  }
0x70: {  	v3 =	vperm.xlane v3, v2;
	s1 =	simm.s32 $0xC900  }
0x71: {  	[hbm4b:s5+s3] =	stream.indirect_vreg.scatter [tilespmem:s1], [sflag:$0x1], $0x80, v4, vm0, $0xb8;
	[tilespmem:$0x14100] =	vst v63  }
0x72: {  	v3 =	vadd.s32 v1, v3;
	s1 =	simm.s32 $0xD100  }
0x73: {  	[hbm4b:s6+s3] =	stream.indirect_vreg.scatter [tilespmem:s1], [sflag:$0x1], $0x80, v4, vm0, $0xb8;
	[tilespmem:$0x14100] =	vst v63  }
0x74: {  	s1 =	simm.s32 $0xD900  }
0x75: {  	[hbm4b:s7+s3] =	stream.indirect_vreg.scatter [tilespmem:s1], [sflag:$0x1], $0x80, v4, vm0, $0xb8;
	[tilespmem:$0x14100] =	vst v63  }
0x76: {  	s1 =	simm.s32 $0xE100  }
0x77: {  	[hbm4b:s4+s3] =	stream.indirect_vreg.scatter [tilespmem:s1], [sflag:$0x1], $0x80, v3, vm0, $0xb8;
	[tilespmem:$0x14100] =	vst v63  }
0x78: {  	s1 =	simm.s32 $0xE900  }
0x79: {  	[hbm4b:s5+s3] =	stream.indirect_vreg.scatter [tilespmem:s1], [sflag:$0x1], $0x80, v3, vm0, $0xb8;
	[tilespmem:$0x14100] =	vst v63  }
0x7a: {  	s1 =	simm.s32 $0xF100  }
0x7b: {  	[hbm4b:s6+s3] =	stream.indirect_vreg.scatter [tilespmem:s1], [sflag:$0x1], $0x80, v3, vm0, $0xb8;
	[tilespmem:$0x14100] =	vst v63  }
0x7c: {  	s1 =	simm.s32 $0xF900  }
0x7d: {  	[hbm4b:s7+s3] =	stream.indirect_vreg.scatter [tilespmem:s1], [sflag:$0x1], $0x80, v3, vm0, $0xb8;
	[tilespmem:$0x14100] =	vst v63  }
0x7e: {  	v3 =	vld [tilespmem:$0x80];
	_ =	sdelay $0x4  }
0x7f: {  	v60 =	vshll.u32 v3, $0x3  }
0x80: {  	v3 =	vand.u32 $0x7, v3;
	v4 =	vand.u32 $0xFFFFFFC0, v60  }
0x81: {  	v3 =	vor.u32 v3, v4  }
0x82: {  	v4 =	vperm.xlane v3, v0;
	_ =	sdelay $0x1  }
0x83: {  	v4 =	vadd.s32 v1, v4;
	_ =	sdelay $0x4  }
0x84: {  	[hbm4b:s4+s3] =	stream.indirect_vreg.scatter [tilespmem:s0], [sflag:$0x1], $0x80, v4, vm0, $0xb8;
	[tilespmem:$0x14100] =	vst v63  }
0x85: {  	v3 =	vperm.xlane v3, v2  }
0x86: {  	[hbm4b:s5+s3] =	stream.indirect_vreg.scatter [tilespmem:s24], [sflag:$0x1], $0x80, v4, vm0, $0xb8;
	[tilespmem:$0x14100] =	vst v63  }
0x87: {  	v3 =	vadd.s32 v1, v3  }
0x88: {  	[hbm4b:s6+s3] =	stream.indirect_vreg.scatter [tilespmem:s29], [sflag:$0x1], $0x80, v4, vm0, $0xb8;
	[tilespmem:$0x14100] =	vst v63  }
0x89: {  	_ = 	snop  }
0x8a: {  	[hbm4b:s7+s3] =	stream.indirect_vreg.scatter [tilespmem:s30], [sflag:$0x1], $0x80, v4, vm0, $0xb8;
	[tilespmem:$0x14100] =	vst v63  }
0x8b: {  	_ = 	snop  }
0x8c: {  	[hbm4b:s4+s3] =	stream.indirect_vreg.scatter [tilespmem:s31], [sflag:$0x1], $0x80, v3, vm0, $0xb8;
	[tilespmem:$0x14100] =	vst v63  }
0x8d: {  	s24 =	simm.s32 $0x2900  }
0x8e: {  	[hbm4b:s5+s3] =	stream.indirect_vreg.scatter [tilespmem:s24], [sflag:$0x1], $0x80, v3, vm0, $0xb8;
	[tilespmem:$0x14100] =	vst v63  }
0x8f: {  	_ = 	snop  }
0x90: {  	[hbm4b:s6+s3] =	stream.indirect_vreg.scatter [tilespmem:s25], [sflag:$0x1], $0x80, v3, vm0, $0xb8;
	[tilespmem:$0x14100] =	vst v63  }
0x91: {  	_ = 	snop  }
0x92: {  	[hbm4b:s7+s3] =	stream.indirect_vreg.scatter [tilespmem:s2], [sflag:$0x1], $0x80, v3, vm0, $0xb8;
	[tilespmem:$0x14100] =	vst v63  }
0x93: {  	v3 =	vld [tilespmem:$0x90];
	_ =	sdelay $0x4  }
0x94: {  	v61 =	vshll.u32 v3, $0x3  }
0x95: {  	v3 =	vand.u32 $0x7, v3;
	v4 =	vand.u32 $0xFFFFFFC0, v61  }
0x96: {  	v3 =	vor.u32 v3, v4  }
0x97: {  	v4 =	vperm.xlane v3, v0;
	_ =	sdelay $0x1  }
0x98: {  	v4 =	vadd.s32 v1, v4;
	_ =	sdelay $0x4  }
0x99: {  	[hbm4b:s4+s3] =	stream.indirect_vreg.scatter [tilespmem:s10], [sflag:$0x1], $0x80, v4, vm0, $0xb8;
	[tilespmem:$0x14100] =	vst v63  }
0x9a: {  	v3 =	vperm.xlane v3, v2  }
0x9b: {  	[hbm4b:s5+s3] =	stream.indirect_vreg.scatter [tilespmem:s12], [sflag:$0x1], $0x80, v4, vm0, $0xb8;
	[tilespmem:$0x14100] =	vst v63  }
0x9c: {  	v3 =	vadd.s32 v1, v3  }
0x9d: {  	[hbm4b:s6+s3] =	stream.indirect_vreg.scatter [tilespmem:s13], [sflag:$0x1], $0x80, v4, vm0, $0xb8;
	[tilespmem:$0x14100] =	vst v63  }
0x9e: {  	_ = 	snop  }
0x9f: {  	[hbm4b:s7+s3] =	stream.indirect_vreg.scatter [tilespmem:s14], [sflag:$0x1], $0x80, v4, vm0, $0xb8;
	[tilespmem:$0x14100] =	vst v63  }
0xa0: {  	_ = 	snop  }
0xa1: {  	[hbm4b:s4+s3] =	stream.indirect_vreg.scatter [tilespmem:s15], [sflag:$0x1], $0x80, v3, vm0, $0xb8;
	[tilespmem:$0x14100] =	vst v63  }
0xa2: {  	_ = 	snop  }
0xa3: {  	[hbm4b:s5+s3] =	stream.indirect_vreg.scatter [tilespmem:s16], [sflag:$0x1], $0x80, v3, vm0, $0xb8;
	[tilespmem:$0x14100] =	vst v63  }
0xa4: {  	_ = 	snop  }
0xa5: {  	[hbm4b:s6+s3] =	stream.indirect_vreg.scatter [tilespmem:s17], [sflag:$0x1], $0x80, v3, vm0, $0xb8;
	[tilespmem:$0x14100] =	vst v63  }
0xa6: {  	_ = 	snop  }
0xa7: {  	[hbm4b:s7+s3] =	stream.indirect_vreg.scatter [tilespmem:s18], [sflag:$0x1], $0x80, v3, vm0, $0xb8;
	[tilespmem:$0x14100] =	vst v63  }
0xa8: {  	v3 =	vld [tilespmem:$0xA0];
	_ =	sdelay $0x4  }
0xa9: {  	v62 =	vshll.u32 v3, $0x3  }
0xaa: {  	v3 =	vand.u32 $0x7, v3;
	v4 =	vand.u32 $0xFFFFFFC0, v62  }
0xab: {  	v3 =	vor.u32 v3, v4  }
0xac: {  	v4 =	vperm.xlane v3, v0;
	_ =	sdelay $0x1  }
0xad: {  	v4 =	vadd.s32 v1, v4;
	_ =	sdelay $0x4  }
0xae: {  	[hbm4b:s4+s3] =	stream.indirect_vreg.scatter [tilespmem:s19], [sflag:$0x1], $0x80, v4, vm0, $0xb8;
	[tilespmem:$0x14100] =	vst v63  }
0xaf: {  	v3 =	vperm.xlane v3, v2  }
0xb0: {  	[hbm4b:s5+s3] =	stream.indirect_vreg.scatter [tilespmem:s20], [sflag:$0x1], $0x80, v4, vm0, $0xb8;
	[tilespmem:$0x14100] =	vst v63  }
0xb1: {  	v3 =	vadd.s32 v1, v3  }
0xb2: {  	[hbm4b:s6+s3] =	stream.indirect_vreg.scatter [tilespmem:s21], [sflag:$0x1], $0x80, v4, vm0, $0xb8;
	[tilespmem:$0x14100] =	vst v63  }
0xb3: {  	_ = 	snop  }
0xb4: {  	[hbm4b:s7+s3] =	stream.indirect_vreg.scatter [tilespmem:s22], [sflag:$0x1], $0x80, v4, vm0, $0xb8;
	[tilespmem:$0x14100] =	vst v63  }
0xb5: {  	_ = 	snop  }
0xb6: {  	[hbm4b:s4+s3] =	stream.indirect_vreg.scatter [tilespmem:s11], [sflag:$0x1], $0x80, v3, vm0, $0xb8;
	[tilespmem:$0x14100] =	vst v63  }
0xb7: {  	_ = 	snop  }
0xb8: {  	[hbm4b:s5+s3] =	stream.indirect_vreg.scatter [tilespmem:s26], [sflag:$0x1], $0x80, v3, vm0, $0xb8;
	[tilespmem:$0x14100] =	vst v63  }
0xb9: {  	_ = 	snop  }
0xba: {  	[hbm4b:s6+s3] =	stream.indirect_vreg.scatter [tilespmem:s28], [sflag:$0x1], $0x80, v3, vm0, $0xb8;
	[tilespmem:$0x14100] =	vst v63  }
0xbb: {  	s2 =	simm.s32 $0xB900  }
0xbc: {  	[hbm4b:s7+s3] =	stream.indirect_vreg.scatter [tilespmem:s2], [sflag:$0x1], $0x80, v3, vm0, $0xb8;
	[tilespmem:$0x14100] =	vst v63  }
0xbd: {  	v3 =	vld [tilespmem:$0xB0];
	_ =	sdelay $0x4  }
0xbe: {  	v63 =	vshll.u32 v3, $0x3  }
0xbf: {  	v3 =	vand.u32 $0x7, v3;
	v4 =	vand.u32 $0xFFFFFFC0, v63  }
0xc0: {  	v3 =	vor.u32 v3, v4  }
0xc1: {  	v4 =	vperm.xlane v3, v0;
	_ =	sdelay $0x1  }
0xc2: {  	v4 =	vadd.s32 v1, v4;
	_ =	sdelay $0x3  }
0xc3: {  	s24 =	simm.s32 $0xC100  }
0xc4: {  	[hbm4b:s4+s3] =	stream.indirect_vreg.scatter [tilespmem:s24], [sflag:$0x1], $0x80, v4, vm0, $0xb8;
	[tilespmem:$0x14100] =	vst v63  }
0xc5: {  	s2 =	simm.s32 $0xC900;
	v3 =	vperm.xlane v3, v2  }
0xc6: {  	[hbm4b:s5+s3] =	stream.indirect_vreg.scatter [tilespmem:s2], [sflag:$0x1], $0x80, v4, vm0, $0xb8;
	[tilespmem:$0x14100] =	vst v63  }
0xc7: {  	v3 =	vadd.s32 v1, v3;
	s24 =	simm.s32 $0xD100  }
0xc8: {  	[hbm4b:s6+s3] =	stream.indirect_vreg.scatter [tilespmem:s24], [sflag:$0x1], $0x80, v4, vm0, $0xb8;
	[tilespmem:$0x14100] =	vst v63  }
0xc9: {  	s2 =	simm.s32 $0xD900  }
0xca: {  	[hbm4b:s7+s3] =	stream.indirect_vreg.scatter [tilespmem:s2], [sflag:$0x1], $0x80, v4, vm0, $0xb8;
	[tilespmem:$0x14100] =	vst v63  }
0xcb: {  	s24 =	simm.s32 $0xE100  }
0xcc: {  	[hbm4b:s4+s3] =	stream.indirect_vreg.scatter [tilespmem:s24], [sflag:$0x1], $0x80, v3, vm0, $0xb8;
	[tilespmem:$0x14100] =	vst v63  }
0xcd: {  	s2 =	simm.s32 $0xE900  }
0xce: {  	[hbm4b:s5+s3] =	stream.indirect_vreg.scatter [tilespmem:s2], [sflag:$0x1], $0x80, v3, vm0, $0xb8;
	[tilespmem:$0x14100] =	vst v63  }
0xcf: {  	s24 =	simm.s32 $0xF100  }
0xd0: {  	[hbm4b:s6+s3] =	stream.indirect_vreg.scatter [tilespmem:s24], [sflag:$0x1], $0x80, v3, vm0, $0xb8;
	[tilespmem:$0x14100] =	vst v63  }
0xd1: {  	s1 =	simm.s32 $0xF900  }
0xd2: {  	[hbm4b:s7+s3] =	stream.indirect_vreg.scatter [tilespmem:s1], [sflag:$0x1], $0x80, v3, vm0, $0xb8;
	[tilespmem:$0x14100] =	vst v63  }
0xd3: {  	s0 =	simm.s32 $0x40;
	s2 =	simm.s32 $0x10100;
	s24 =	rddreg [dreg:$0x2]  }
0xd4: {  	[hbm4b:s24+s0] =	stream.indirect.scatter [tilespmem:s2], [sflag:$0x1], $0x80, s3, s0, $0xb8;
	[tilespmem:$0x14100] =	vst v63  }
0xd5: {  	s1 =	simm.s32 $0x80;
	s2 =	simm.s32 $0x12100  }
0xd6: {  	[hbm4b:s24+s0] =	stream.indirect.scatter [tilespmem:s2], [sflag:$0x1], $0x80, s1, s0, $0xb8;
	[tilespmem:$0x14100] =	vst v63  }
0xd7: {  	_ =	swait.ge [sflag:s23], $0x10000  }
0xd8: {  	[sflag:s23] =	ssyncset.done $0x0  }
0xd9: {  	[sflag:s23] =	ssyncadd.s32 $0xFFFF0000  }
0xda: {  	_ =	swait.ge [sflag:s23], $0x10000  }
0xdb: {  	[sflag:s23] =	ssyncset.done $0x0  }
0xdc: {  	[sflag:s23] =	ssyncadd.s32 $0xFFFF0000  }
0xdd: {  	p0 =	sne.s32 s8, $0x1;
	_ =	swait.ge [sflag:s23], $0x2000  }
.Ltmp0:
0xde: {  	[sflag:s23] =	ssyncset.done $0x0;
	(pc) =	sbr.rel @p0 .LBB2_1-.Ltmp0, $4  }
0xdf: {  	[sflag:s23] =	ssyncadd.s32 $0xFFFFE000  }
0xe0: {  	_ =	swait.ge [sflag:s23], $0x2000  }
0xe1: {  	[sflag:s23] =	ssyncset.done $0x0  }
0xe2: {  	s8 =	sadd.s32 $0xFFFFFFFF, s8;
	[sflag:s23] =	ssyncadd.s32 $0xFFFFE000  }
0xe3: {  	_ =	sfence.sel $0x180000  }
0xe4: {  	[bflag:$0x0] =	sbarrier.arrive $0xFFFF  }
0xe5: {  	_ =	strace $0x90000047  }
0xe6: {  	s0 =	stileid.u32;
	[bflag:$0x2] =	sbarrier.arrive $0xFFFF  }
0xe7: {  	p0 =	sne.s32 s0, $0x0;
	s0 =	rddreg [dreg:$0x3]  }
0xe8: {  	s0 =	sadd.s32 @!p0 $0x100000, s0  }
0xe9: {  	[sflag:s0] =	ssyncadd.tile.s32 @!p0 $0x1;
	_ =	shalt  }
.Lfunc_end2:
_tile_overlayer_lowered:
.L_overlay_start_2:
0xea: {  	(tag) =	ssettag $0x2  }
0xeb: {  	s0 =	rddreg [dreg:$0x0];
	s2 =	stileid.u32  }
0xec: {  	s1 =	rddreg [dreg:$0x1];
	p0 =	sne.s32 s2, $0x0  }
0xed: {  	s3 =	rddreg [dreg:$0x2];
	[bflag:$0x3] =	sbarrier.arrive $0xFFFF;
	s2 =	simm.s32 @!p0 $0x1C02  }
0xee: {  	[timem:s3], [sflag:s2] =	dma.local @!p0 [hbm:s0], s1  }
0xef: {  	s0 =	simm.s32 @!p0 $0x2  }
0xf0: {  	_ =	swait.ge @!p0 [sflag:s0], s1  }
0xf1: {  	s1 =	ssub.s32 @!p0 $0x0, s1;
	[sflag:s0] =	ssyncset.done @!p0 $0x0  }
0xf2: {  	[sflag:s0] =	ssyncadd.s32 @!p0 s1  }
0xf3: {  	[bflag:$0x3] =	sbarrier.arrive $0xFFFF  }
0xf4: {  	_ =	shalt  }

</sc_bundles>
